<compile_context>
chip_gen: v7x
topology: tpu7x:2x2x1
jax: 0.10.2.dev20260603
libtpu: 0.0.44.dev20260713+nightly
codegen_flags: <defaults>
</compile_context>

<pallas_src>
import functools

import jax
import jax.numpy as jnp
from jax import lax
from jax.experimental import pallas as pl
from jax.experimental.pallas import tpu as pltpu
from jax.experimental.pallas import tpu_sc as plsc

_CH = 128
_NBUF = 5
_GA = 4


def _sc_geometry():
    try:
        info = plsc.get_sparse_core_info()
        return info.num_cores, info.num_subcores
    except Exception:
        return 2, 16


@functools.lru_cache(maxsize=None)
def _make_gather(B0, S, D, NC, NS):
    NW = NC * NS
    bw = B0 // NW
    n = S
    assert bw == _CH and n % _NBUF == 0 and n >= 2 * _NBUF
    mesh = plsc.VectorSubcoreMesh(core_axis_name="c", subcore_axis_name="s")

    @functools.partial(
        pl.kernel,
        out_type=jax.ShapeDtypeStruct((S, B0, D), jnp.float32),
        mesh=mesh,
        scratch_types=[
            pltpu.VMEM((S, _CH), jnp.int32),
            pltpu.VMEM((_NBUF, _CH, D), jnp.float32),
            [pltpu.SemaphoreType.DMA] * _NBUF,
            [pltpu.SemaphoreType.DMA] * _NBUF,
        ],
    )
    def gather_kernel(table_hbm, idx_hbm, out_hbm, idx_v, rows_v,
                      gsems, ssems):
        wid = lax.axis_index("s") * NC + lax.axis_index("c")
        col0 = wid * bw
        pltpu.sync_copy(idx_hbm.at[:, pl.ds(col0, _CH)], idx_v)

        def gather(s, slot):
            return pltpu.make_async_copy(
                table_hbm.at[idx_v.at[s]], rows_v.at[slot], gsems[slot])

        def store(s, slot):
            return pltpu.make_async_copy(
                rows_v.at[slot],
                out_hbm.at[s, pl.ds(col0, _CH)], ssems[slot])

        for j in range(_GA):
            gather(j, j).start()

        def step(i, carry):
            for b in range(_NBUF):
                s = i * _NBUF + b
                gather(s, b).wait()
                store(s, b).start()
                nslot = (b + _GA) % _NBUF

                @pl.when((s + _GA < n) & (s + _GA >= _NBUF))
                def _(s=s, nslot=nslot):
                    store(s + _GA - _NBUF, nslot).wait()

                @pl.when(s + _GA < n)
                def _(s=s, nslot=nslot):
                    gather(s + _GA, nslot).start()

            return carry

        lax.fori_loop(0, n // _NBUF, step, 0)
        for b in range(_NBUF):
            store(n - _NBUF + b, b).wait()

    return gather_kernel


def kernel(token_ids, weight):
    B0, S = token_ids.shape
    D = weight.shape[1]
    NC, NS = _sc_geometry()
    tids_t = token_ids.astype(jnp.int32).T
    out3 = _make_gather(B0, S, D, NC, NS)(weight, tids_t)
    return jnp.transpose(out3, (1, 0, 2))

# --- scband reference (transcript-rebuilt; emitter-appended) ---
"""Pipeline reference for scband-embedding-16836271800925 (READ-ONLY COPY).

The authoritative reference and input builder live on the scoring server;
editing this copy changes nothing except your own understanding.
"""

import jax, jax.numpy as jnp
import numpy as np

NUM_EMBEDDINGS = 100000
EMBEDDING_DIM = 128

def setup_inputs(seed: int = 0) -> dict:
    key = jax.random.key(seed)
    k1, k2 = jax.random.split(key)
    token_ids = jax.random.randint(k1, (4096, 50), 0, NUM_EMBEDDINGS, dtype=jnp.int64 if jax.config.jax_enable_x64 else jnp.int32)
    # trunc_normal_ init: approximate with normal clipped to [-2, 2] (torch default trunc_normal_)
    w = jax.random.truncated_normal(k2, -2.0, 2.0, (NUM_EMBEDDINGS, EMBEDDING_DIM), dtype=jnp.float32)
    return {"token_ids": token_ids, "weight": w}

def reference(token_ids, weight):
    # weight[token_ids] -> gather along axis 0
    return jnp.take(weight, token_ids, axis=0)

if __name__ == "__main__":
    import jax
    _d = setup_inputs()
    print(jax.jit(kernel)(*tuple(_d.values())))

</pallas_src>

<mosaic_0001>
#map = affine_map<(d0, d1) -> (0, 0)>
#map1 = affine_map<(d0, d1) -> (0, 0, 0)>
module attributes {stable_mosaic.version = 14 : i64} {
  func.func @gather_kernel(%arg0: i32, %arg1: i32, %arg2: memref<100000x128xf32, #tpu.memory_space<hbm>>, %arg3: memref<50x4096xi32, #tpu.memory_space<hbm>>, %arg4: memref<50x4096x128xf32, #tpu.memory_space<hbm>>, %arg5: memref<50x128xi32, #tpu.memory_space<vmem>>, %arg6: memref<5x128x128xf32, #tpu.memory_space<vmem>>, %arg7: memref<!tpu.dma_semaphore, #tpu.memory_space<semaphore_mem>>, %arg8: memref<!tpu.dma_semaphore, #tpu.memory_space<semaphore_mem>>, %arg9: memref<!tpu.dma_semaphore, #tpu.memory_space<semaphore_mem>>, %arg10: memref<!tpu.dma_semaphore, #tpu.memory_space<semaphore_mem>>, %arg11: memref<!tpu.dma_semaphore, #tpu.memory_space<semaphore_mem>>, %arg12: memref<!tpu.dma_semaphore, #tpu.memory_space<semaphore_mem>>, %arg13: memref<!tpu.dma_semaphore, #tpu.memory_space<semaphore_mem>>, %arg14: memref<!tpu.dma_semaphore, #tpu.memory_space<semaphore_mem>>, %arg15: memref<!tpu.dma_semaphore, #tpu.memory_space<semaphore_mem>>, %arg16: memref<!tpu.dma_semaphore, #tpu.memory_space<semaphore_mem>>) attributes {dimension_semantics = [#tpu.dimension_semantics<core_parallel>, #tpu.dimension_semantics<subcore_parallel>], iteration_bounds = array<i64: 2, 16>, scalar_prefetch = 0 : i64, scratch_operands = 12 : i64, tpu.core_type = #tpu.core_type<sc_vector_subcore>, window_params = [{transform_indices = #map}, {transform_indices = #map}, {transform_indices = #map1}]} {
    %mul3A = arith.constant 2 : i32
    %mul3A_0 = arith.muli %arg1, %mul3A : i32
    %add3A = arith.addi %mul3A_0, %arg0 : i32
    %mul3A_1 = arith.constant 128 : i32
    %mul3A_2 = arith.muli %add3A, %mul3A_1 : i32
    "tpu.region"() ({
      %run_scoped3A = tpu.sem_alloc : memref<!tpu.dma_semaphore, #tpu.memory_space<semaphore_mem>>
      %dma_start3A_134 = arith.constant 0 : i32
      %dma_start3A_135 = tpu.memref_slice %arg3[%dma_start3A_134, %mul3A_2] : memref<50x4096xi32, #tpu.memory_space<hbm>> -> memref<50x128xi32, #tpu.memory_space<hbm>>
      %dma_start3A_136 = arith.constant 0 : i32
      %dma_start3A_137 = tpu.memref_slice %arg3[%dma_start3A_136, %mul3A_2] : memref<50x4096xi32, #tpu.memory_space<hbm>> -> memref<50x128xi32, #tpu.memory_space<hbm>>
      tpu.enqueue_dma source(%dma_start3A_137 : memref<50x128xi32, #tpu.memory_space<hbm>>) target(%arg5 : memref<50x128xi32, #tpu.memory_space<vmem>>) target_semaphore(%run_scoped3A : memref<!tpu.dma_semaphore, #tpu.memory_space<semaphore_mem>>)
      %dma_wait3A_138 = arith.constant 0 : i32
      %dma_wait3A_139 = tpu.memref_slice %arg3[%dma_wait3A_138, %mul3A_2] : memref<50x4096xi32, #tpu.memory_space<hbm>> -> memref<50x128xi32, #tpu.memory_space<hbm>>
      %dma_wait3A_140 = arith.constant 0 : i32
      %dma_wait3A_141 = tpu.memref_slice %arg3[%dma_wait3A_140, %mul3A_2] : memref<50x4096xi32, #tpu.memory_space<hbm>> -> memref<50x128xi32, #tpu.memory_space<hbm>>
      tpu.wait_dma2 semaphore(%run_scoped3A : memref<!tpu.dma_semaphore, #tpu.memory_space<semaphore_mem>>) src(%dma_wait3A_141 : memref<50x128xi32, #tpu.memory_space<hbm>>) dst(%arg5 : memref<50x128xi32, #tpu.memory_space<vmem>>)
      tpu.yield
    }) : () -> ()
    %dma_start3A = arith.constant 0 : i32
    %dma_start3A_3 = arith.constant 0 : i32
    %dma_start3A_4 = arith.constant 0 : i32
    %dma_start3A_5 = arith.constant 0 : i32
    %dma_start3A_6 = tpu.memref_slice %arg6[%dma_start3A_3, %dma_start3A_4, %dma_start3A_5] : memref<5x128x128xf32, #tpu.memory_space<vmem>> -> memref<1x128x128xf32, #tpu.memory_space<vmem>>
    %dma_start3A_7 = tpu.memref_squeeze %dma_start3A_6 : memref<1x128x128xf32, #tpu.memory_space<vmem>> -> memref<128x128xf32, #tpu.memory_space<vmem>>
    %dma_start3A_8 = arith.constant 0 : i32
    %dma_start3A_9 = tpu.memref_slice %arg5[%dma_start3A, %dma_start3A_8] : memref<50x128xi32, #tpu.memory_space<vmem>> -> memref<1x128xi32, #tpu.memory_space<vmem>>
    %dma_start3A_10 = tpu.memref_squeeze %dma_start3A_9 : memref<1x128xi32, #tpu.memory_space<vmem>> -> memref<128xi32, #tpu.memory_space<vmem>>
    %dma_start3A_11 = arith.constant 0 : i32
    %dma_start3A_12 = arith.constant 0 : i32
    %dma_start3A_13 = tpu.memref_slice %arg2[%dma_start3A_11, %dma_start3A_12] : memref<100000x128xf32, #tpu.memory_space<hbm>> -> memref<100000x128xf32, #tpu.memory_space<hbm>>
    tpu.enqueue_indirect_dma source(%dma_start3A_13 : memref<100000x128xf32, #tpu.memory_space<hbm>>) target(%dma_start3A_7 : memref<128x128xf32, #tpu.memory_space<vmem>>) offsets(%dma_start3A_10 : memref<128xi32, #tpu.memory_space<vmem>>) semaphore(%arg7 : memref<!tpu.dma_semaphore, #tpu.memory_space<semaphore_mem>>)
    %dma_start3A_14 = arith.constant 1 : i32
    %dma_start3A_15 = arith.constant 1 : i32
    %dma_start3A_16 = arith.constant 0 : i32
    %dma_start3A_17 = arith.constant 0 : i32
    %dma_start3A_18 = tpu.memref_slice %arg6[%dma_start3A_15, %dma_start3A_16, %dma_start3A_17] : memref<5x128x128xf32, #tpu.memory_space<vmem>> -> memref<1x128x128xf32, #tpu.memory_space<vmem>>
    %dma_start3A_19 = tpu.memref_squeeze %dma_start3A_18 : memref<1x128x128xf32, #tpu.memory_space<vmem>> -> memref<128x128xf32, #tpu.memory_space<vmem>>
    %dma_start3A_20 = arith.constant 0 : i32
    %dma_start3A_21 = tpu.memref_slice %arg5[%dma_start3A_14, %dma_start3A_20] : memref<50x128xi32, #tpu.memory_space<vmem>> -> memref<1x128xi32, #tpu.memory_space<vmem>>
    %dma_start3A_22 = tpu.memref_squeeze %dma_start3A_21 : memref<1x128xi32, #tpu.memory_space<vmem>> -> memref<128xi32, #tpu.memory_space<vmem>>
    %dma_start3A_23 = arith.constant 0 : i32
    %dma_start3A_24 = arith.constant 0 : i32
    %dma_start3A_25 = tpu.memref_slice %arg2[%dma_start3A_23, %dma_start3A_24] : memref<100000x128xf32, #tpu.memory_space<hbm>> -> memref<100000x128xf32, #tpu.memory_space<hbm>>
    tpu.enqueue_indirect_dma source(%dma_start3A_25 : memref<100000x128xf32, #tpu.memory_space<hbm>>) target(%dma_start3A_19 : memref<128x128xf32, #tpu.memory_space<vmem>>) offsets(%dma_start3A_22 : memref<128xi32, #tpu.memory_space<vmem>>) semaphore(%arg8 : memref<!tpu.dma_semaphore, #tpu.memory_space<semaphore_mem>>)
    %dma_start3A_26 = arith.constant 2 : i32
    %dma_start3A_27 = arith.constant 2 : i32
    %dma_start3A_28 = arith.constant 0 : i32
    %dma_start3A_29 = arith.constant 0 : i32
    %dma_start3A_30 = tpu.memref_slice %arg6[%dma_start3A_27, %dma_start3A_28, %dma_start3A_29] : memref<5x128x128xf32, #tpu.memory_space<vmem>> -> memref<1x128x128xf32, #tpu.memory_space<vmem>>
    %dma_start3A_31 = tpu.memref_squeeze %dma_start3A_30 : memref<1x128x128xf32, #tpu.memory_space<vmem>> -> memref<128x128xf32, #tpu.memory_space<vmem>>
    %dma_start3A_32 = arith.constant 0 : i32
    %dma_start3A_33 = tpu.memref_slice %arg5[%dma_start3A_26, %dma_start3A_32] : memref<50x128xi32, #tpu.memory_space<vmem>> -> memref<1x128xi32, #tpu.memory_space<vmem>>
    %dma_start3A_34 = tpu.memref_squeeze %dma_start3A_33 : memref<1x128xi32, #tpu.memory_space<vmem>> -> memref<128xi32, #tpu.memory_space<vmem>>
    %dma_start3A_35 = arith.constant 0 : i32
    %dma_start3A_36 = arith.constant 0 : i32
    %dma_start3A_37 = tpu.memref_slice %arg2[%dma_start3A_35, %dma_start3A_36] : memref<100000x128xf32, #tpu.memory_space<hbm>> -> memref<100000x128xf32, #tpu.memory_space<hbm>>
    tpu.enqueue_indirect_dma source(%dma_start3A_37 : memref<100000x128xf32, #tpu.memory_space<hbm>>) target(%dma_start3A_31 : memref<128x128xf32, #tpu.memory_space<vmem>>) offsets(%dma_start3A_34 : memref<128xi32, #tpu.memory_space<vmem>>) semaphore(%arg9 : memref<!tpu.dma_semaphore, #tpu.memory_space<semaphore_mem>>)
    %dma_start3A_38 = arith.constant 3 : i32
    %dma_start3A_39 = arith.constant 3 : i32
    %dma_start3A_40 = arith.constant 0 : i32
    %dma_start3A_41 = arith.constant 0 : i32
    %dma_start3A_42 = tpu.memref_slice %arg6[%dma_start3A_39, %dma_start3A_40, %dma_start3A_41] : memref<5x128x128xf32, #tpu.memory_space<vmem>> -> memref<1x128x128xf32, #tpu.memory_space<vmem>>
    %dma_start3A_43 = tpu.memref_squeeze %dma_start3A_42 : memref<1x128x128xf32, #tpu.memory_space<vmem>> -> memref<128x128xf32, #tpu.memory_space<vmem>>
    %dma_start3A_44 = arith.constant 0 : i32
    %dma_start3A_45 = tpu.memref_slice %arg5[%dma_start3A_38, %dma_start3A_44] : memref<50x128xi32, #tpu.memory_space<vmem>> -> memref<1x128xi32, #tpu.memory_space<vmem>>
    %dma_start3A_46 = tpu.memref_squeeze %dma_start3A_45 : memref<1x128xi32, #tpu.memory_space<vmem>> -> memref<128xi32, #tpu.memory_space<vmem>>
    %dma_start3A_47 = arith.constant 0 : i32
    %dma_start3A_48 = arith.constant 0 : i32
    %dma_start3A_49 = tpu.memref_slice %arg2[%dma_start3A_47, %dma_start3A_48] : memref<100000x128xf32, #tpu.memory_space<hbm>> -> memref<100000x128xf32, #tpu.memory_space<hbm>>
    tpu.enqueue_indirect_dma source(%dma_start3A_49 : memref<100000x128xf32, #tpu.memory_space<hbm>>) target(%dma_start3A_43 : memref<128x128xf32, #tpu.memory_space<vmem>>) offsets(%dma_start3A_46 : memref<128xi32, #tpu.memory_space<vmem>>) semaphore(%arg10 : memref<!tpu.dma_semaphore, #tpu.memory_space<semaphore_mem>>)
    %scan3A = arith.constant 0 : i32
    %scan3A_50 = arith.constant 0 : i32
    %scan3A_51 = arith.constant 10 : i32
    %scan3A_52 = arith.addi %scan3A_50, %scan3A_51 : i32
    %scan3A_53 = arith.constant 1 : i32
    scf.for %scan3A_134 = %scan3A_50 to %scan3A_52 step %scan3A_53  : i32 {
      %mul3A_135 = arith.constant 5 : i32
      %mul3A_136 = arith.muli %scan3A_134, %mul3A_135 : i32
      %add3A_137 = arith.constant 0 : i32
      %add3A_138 = arith.addi %mul3A_136, %add3A_137 : i32
      %dma_wait3A_139 = arith.constant 0 : i32
      %dma_wait3A_140 = arith.constant 0 : i32
      %dma_wait3A_141 = arith.constant 0 : i32
      %dma_wait3A_142 = tpu.memref_slice %arg6[%dma_wait3A_139, %dma_wait3A_140, %dma_wait3A_141] : memref<5x128x128xf32, #tpu.memory_space<vmem>> -> memref<1x128x128xf32, #tpu.memory_space<vmem>>
      %dma_wait3A_143 = tpu.memref_squeeze %dma_wait3A_142 : memref<1x128x128xf32, #tpu.memory_space<vmem>> -> memref<128x128xf32, #tpu.memory_space<vmem>>
      %dma_wait3A_144 = arith.constant 0 : i32
      %dma_wait3A_145 = tpu.memref_slice %arg5[%add3A_138, %dma_wait3A_144] : memref<50x128xi32, #tpu.memory_space<vmem>> -> memref<1x128xi32, #tpu.memory_space<vmem>>
      %dma_wait3A_146 = tpu.memref_squeeze %dma_wait3A_145 : memref<1x128xi32, #tpu.memory_space<vmem>> -> memref<128xi32, #tpu.memory_space<vmem>>
      %dma_wait3A_147 = arith.constant 0 : i32
      %dma_wait3A_148 = arith.constant 0 : i32
      %dma_wait3A_149 = tpu.memref_slice %arg2[%dma_wait3A_147, %dma_wait3A_148] : memref<100000x128xf32, #tpu.memory_space<hbm>> -> memref<100000x128xf32, #tpu.memory_space<hbm>>
      tpu.wait_indirect_dma semaphore(%arg7 : memref<!tpu.dma_semaphore, #tpu.memory_space<semaphore_mem>>) src(%dma_wait3A_149 : memref<100000x128xf32, #tpu.memory_space<hbm>>) dst(%dma_wait3A_143 : memref<128x128xf32, #tpu.memory_space<vmem>>)
      %dma_start3A_150 = arith.constant 0 : i32
      %dma_start3A_151 = arith.constant 0 : i32
      %dma_start3A_152 = arith.constant 0 : i32
      %dma_start3A_153 = tpu.memref_slice %arg6[%dma_start3A_150, %dma_start3A_151, %dma_start3A_152] : memref<5x128x128xf32, #tpu.memory_space<vmem>> -> memref<1x128x128xf32, #tpu.memory_space<vmem>>
      %dma_start3A_154 = tpu.memref_squeeze %dma_start3A_153 : memref<1x128x128xf32, #tpu.memory_space<vmem>> -> memref<128x128xf32, #tpu.memory_space<vmem>>
      %dma_start3A_155 = arith.constant 0 : i32
      %dma_start3A_156 = tpu.memref_slice %arg4[%add3A_138, %mul3A_2, %dma_start3A_155] : memref<50x4096x128xf32, #tpu.memory_space<hbm>> -> memref<1x128x128xf32, #tpu.memory_space<hbm>>
      %dma_start3A_157 = tpu.memref_squeeze %dma_start3A_156 : memref<1x128x128xf32, #tpu.memory_space<hbm>> -> memref<128x128xf32, #tpu.memory_space<hbm>>
      %dma_start3A_158 = arith.constant 0 : i32
      %dma_start3A_159 = tpu.memref_slice %arg4[%add3A_138, %mul3A_2, %dma_start3A_158] : memref<50x4096x128xf32, #tpu.memory_space<hbm>> -> memref<1x128x128xf32, #tpu.memory_space<hbm>>
      %dma_start3A_160 = tpu.memref_squeeze %dma_start3A_159 : memref<1x128x128xf32, #tpu.memory_space<hbm>> -> memref<128x128xf32, #tpu.memory_space<hbm>>
      %dma_start3A_161 = arith.constant 0 : i32
      %dma_start3A_162 = arith.constant 0 : i32
      %dma_start3A_163 = tpu.memref_slice %arg6[%dma_start3A_150, %dma_start3A_161, %dma_start3A_162] : memref<5x128x128xf32, #tpu.memory_space<vmem>> -> memref<1x128x128xf32, #tpu.memory_space<vmem>>
      %dma_start3A_164 = tpu.memref_squeeze %dma_start3A_163 : memref<1x128x128xf32, #tpu.memory_space<vmem>> -> memref<128x128xf32, #tpu.memory_space<vmem>>
      tpu.enqueue_dma source(%dma_start3A_164 : memref<128x128xf32, #tpu.memory_space<vmem>>) target(%dma_start3A_160 : memref<128x128xf32, #tpu.memory_space<hbm>>) target_semaphore(%arg12 : memref<!tpu.dma_semaphore, #tpu.memory_space<semaphore_mem>>)
      %add3A_165 = arith.constant 4 : i32
      %add3A_166 = arith.addi %add3A_138, %add3A_165 : i32
      %lt3A = arith.constant 50 : i32
      %lt3A_167 = arith.cmpi slt, %add3A_166, %lt3A : i32
      %add3A_168 = arith.constant 4 : i32
      %add3A_169 = arith.addi %add3A_138, %add3A_168 : i32
      %ge3A = arith.constant 5 : i32
      %ge3A_170 = arith.cmpi sge, %add3A_169, %ge3A : i32
      %and3A = arith.andi %lt3A_167, %ge3A_170 : i1
      %convert_element_type3A = arith.extui %and3A : i1 to i32
      %cond3A = arith.constant 0 : i32
      %cond3A_171 = arith.cmpi ne, %convert_element_type3A, %cond3A : i32
      scf.if %cond3A_171 {
        %add3A_375 = arith.constant 4 : i32
        %add3A_376 = arith.addi %add3A_138, %add3A_375 : i32
        %sub3A = arith.constant 5 : i32
        %sub3A_377 = arith.subi %add3A_376, %sub3A : i32
        %dma_wait3A_378 = arith.constant 4 : i32
        %dma_wait3A_379 = arith.constant 0 : i32
        %dma_wait3A_380 = arith.constant 0 : i32
        %dma_wait3A_381 = tpu.memref_slice %arg6[%dma_wait3A_378, %dma_wait3A_379, %dma_wait3A_380] : memref<5x128x128xf32, #tpu.memory_space<vmem>> -> memref<1x128x128xf32, #tpu.memory_space<vmem>>
        %dma_wait3A_382 = tpu.memref_squeeze %dma_wait3A_381 : memref<1x128x128xf32, #tpu.memory_space<vmem>> -> memref<128x128xf32, #tpu.memory_space<vmem>>
        %dma_wait3A_383 = arith.constant 0 : i32
        %dma_wait3A_384 = tpu.memref_slice %arg4[%sub3A_377, %mul3A_2, %dma_wait3A_383] : memref<50x4096x128xf32, #tpu.memory_space<hbm>> -> memref<1x128x128xf32, #tpu.memory_space<hbm>>
        %dma_wait3A_385 = tpu.memref_squeeze %dma_wait3A_384 : memref<1x128x128xf32, #tpu.memory_space<hbm>> -> memref<128x128xf32, #tpu.memory_space<hbm>>
        %dma_wait3A_386 = arith.constant 0 : i32
        %dma_wait3A_387 = tpu.memref_slice %arg4[%sub3A_377, %mul3A_2, %dma_wait3A_386] : memref<50x4096x128xf32, #tpu.memory_space<hbm>> -> memref<1x128x128xf32, #tpu.memory_space<hbm>>
        %dma_wait3A_388 = tpu.memref_squeeze %dma_wait3A_387 : memref<1x128x128xf32, #tpu.memory_space<hbm>> -> memref<128x128xf32, #tpu.memory_space<hbm>>
        %dma_wait3A_389 = arith.constant 0 : i32
        %dma_wait3A_390 = arith.constant 0 : i32
        %dma_wait3A_391 = tpu.memref_slice %arg6[%dma_wait3A_378, %dma_wait3A_389, %dma_wait3A_390] : memref<5x128x128xf32, #tpu.memory_space<vmem>> -> memref<1x128x128xf32, #tpu.memory_space<vmem>>
        %dma_wait3A_392 = tpu.memref_squeeze %dma_wait3A_391 : memref<1x128x128xf32, #tpu.memory_space<vmem>> -> memref<128x128xf32, #tpu.memory_space<vmem>>
        tpu.wait_dma2 semaphore(%arg16 : memref<!tpu.dma_semaphore, #tpu.memory_space<semaphore_mem>>) src(%dma_wait3A_392 : memref<128x128xf32, #tpu.memory_space<vmem>>) dst(%dma_wait3A_388 : memref<128x128xf32, #tpu.memory_space<hbm>>)
      } else {
      }
      %add3A_172 = arith.constant 4 : i32
      %add3A_173 = arith.addi %add3A_138, %add3A_172 : i32
      %lt3A_174 = arith.constant 50 : i32
      %lt3A_175 = arith.cmpi slt, %add3A_173, %lt3A_174 : i32
      %convert_element_type3A_176 = arith.extui %lt3A_175 : i1 to i32
      %cond3A_177 = arith.constant 0 : i32
      %cond3A_178 = arith.cmpi ne, %convert_element_type3A_176, %cond3A_177 : i32
      scf.if %cond3A_178 {
        %add3A_375 = arith.constant 4 : i32
        %add3A_376 = arith.addi %add3A_138, %add3A_375 : i32
        %dma_start3A_377 = arith.constant 4 : i32
        %dma_start3A_378 = arith.constant 0 : i32
        %dma_start3A_379 = arith.constant 0 : i32
        %dma_start3A_380 = tpu.memref_slice %arg6[%dma_start3A_377, %dma_start3A_378, %dma_start3A_379] : memref<5x128x128xf32, #tpu.memory_space<vmem>> -> memref<1x128x128xf32, #tpu.memory_space<vmem>>
        %dma_start3A_381 = tpu.memref_squeeze %dma_start3A_380 : memref<1x128x128xf32, #tpu.memory_space<vmem>> -> memref<128x128xf32, #tpu.memory_space<vmem>>
        %dma_start3A_382 = arith.constant 0 : i32
        %dma_start3A_383 = tpu.memref_slice %arg5[%add3A_376, %dma_start3A_382] : memref<50x128xi32, #tpu.memory_space<vmem>> -> memref<1x128xi32, #tpu.memory_space<vmem>>
        %dma_start3A_384 = tpu.memref_squeeze %dma_start3A_383 : memref<1x128xi32, #tpu.memory_space<vmem>> -> memref<128xi32, #tpu.memory_space<vmem>>
        %dma_start3A_385 = arith.constant 0 : i32
        %dma_start3A_386 = arith.constant 0 : i32
        %dma_start3A_387 = tpu.memref_slice %arg2[%dma_start3A_385, %dma_start3A_386] : memref<100000x128xf32, #tpu.memory_space<hbm>> -> memref<100000x128xf32, #tpu.memory_space<hbm>>
        tpu.enqueue_indirect_dma source(%dma_start3A_387 : memref<100000x128xf32, #tpu.memory_space<hbm>>) target(%dma_start3A_381 : memref<128x128xf32, #tpu.memory_space<vmem>>) offsets(%dma_start3A_384 : memref<128xi32, #tpu.memory_space<vmem>>) semaphore(%arg11 : memref<!tpu.dma_semaphore, #tpu.memory_space<semaphore_mem>>)
      } else {
      }
      %mul3A_179 = arith.constant 5 : i32
      %mul3A_180 = arith.muli %scan3A_134, %mul3A_179 : i32
      %add3A_181 = arith.constant 1 : i32
      %add3A_182 = arith.addi %mul3A_180, %add3A_181 : i32
      %dma_wait3A_183 = arith.constant 1 : i32
      %dma_wait3A_184 = arith.constant 0 : i32
      %dma_wait3A_185 = arith.constant 0 : i32
      %dma_wait3A_186 = tpu.memref_slice %arg6[%dma_wait3A_183, %dma_wait3A_184, %dma_wait3A_185] : memref<5x128x128xf32, #tpu.memory_space<vmem>> -> memref<1x128x128xf32, #tpu.memory_space<vmem>>
      %dma_wait3A_187 = tpu.memref_squeeze %dma_wait3A_186 : memref<1x128x128xf32, #tpu.memory_space<vmem>> -> memref<128x128xf32, #tpu.memory_space<vmem>>
      %dma_wait3A_188 = arith.constant 0 : i32
      %dma_wait3A_189 = tpu.memref_slice %arg5[%add3A_182, %dma_wait3A_188] : memref<50x128xi32, #tpu.memory_space<vmem>> -> memref<1x128xi32, #tpu.memory_space<vmem>>
      %dma_wait3A_190 = tpu.memref_squeeze %dma_wait3A_189 : memref<1x128xi32, #tpu.memory_space<vmem>> -> memref<128xi32, #tpu.memory_space<vmem>>
      %dma_wait3A_191 = arith.constant 0 : i32
      %dma_wait3A_192 = arith.constant 0 : i32
      %dma_wait3A_193 = tpu.memref_slice %arg2[%dma_wait3A_191, %dma_wait3A_192] : memref<100000x128xf32, #tpu.memory_space<hbm>> -> memref<100000x128xf32, #tpu.memory_space<hbm>>
      tpu.wait_indirect_dma semaphore(%arg8 : memref<!tpu.dma_semaphore, #tpu.memory_space<semaphore_mem>>) src(%dma_wait3A_193 : memref<100000x128xf32, #tpu.memory_space<hbm>>) dst(%dma_wait3A_187 : memref<128x128xf32, #tpu.memory_space<vmem>>)
      %dma_start3A_194 = arith.constant 1 : i32
      %dma_start3A_195 = arith.constant 0 : i32
      %dma_start3A_196 = arith.constant 0 : i32
      %dma_start3A_197 = tpu.memref_slice %arg6[%dma_start3A_194, %dma_start3A_195, %dma_start3A_196] : memref<5x128x128xf32, #tpu.memory_space<vmem>> -> memref<1x128x128xf32, #tpu.memory_space<vmem>>
      %dma_start3A_198 = tpu.memref_squeeze %dma_start3A_197 : memref<1x128x128xf32, #tpu.memory_space<vmem>> -> memref<128x128xf32, #tpu.memory_space<vmem>>
      %dma_start3A_199 = arith.constant 0 : i32
      %dma_start3A_200 = tpu.memref_slice %arg4[%add3A_182, %mul3A_2, %dma_start3A_199] : memref<50x4096x128xf32, #tpu.memory_space<hbm>> -> memref<1x128x128xf32, #tpu.memory_space<hbm>>
      %dma_start3A_201 = tpu.memref_squeeze %dma_start3A_200 : memref<1x128x128xf32, #tpu.memory_space<hbm>> -> memref<128x128xf32, #tpu.memory_space<hbm>>
      %dma_start3A_202 = arith.constant 0 : i32
      %dma_start3A_203 = tpu.memref_slice %arg4[%add3A_182, %mul3A_2, %dma_start3A_202] : memref<50x4096x128xf32, #tpu.memory_space<hbm>> -> memref<1x128x128xf32, #tpu.memory_space<hbm>>
      %dma_start3A_204 = tpu.memref_squeeze %dma_start3A_203 : memref<1x128x128xf32, #tpu.memory_space<hbm>> -> memref<128x128xf32, #tpu.memory_space<hbm>>
      %dma_start3A_205 = arith.constant 0 : i32
      %dma_start3A_206 = arith.constant 0 : i32
      %dma_start3A_207 = tpu.memref_slice %arg6[%dma_start3A_194, %dma_start3A_205, %dma_start3A_206] : memref<5x128x128xf32, #tpu.memory_space<vmem>> -> memref<1x128x128xf32, #tpu.memory_space<vmem>>
      %dma_start3A_208 = tpu.memref_squeeze %dma_start3A_207 : memref<1x128x128xf32, #tpu.memory_space<vmem>> -> memref<128x128xf32, #tpu.memory_space<vmem>>
      tpu.enqueue_dma source(%dma_start3A_208 : memref<128x128xf32, #tpu.memory_space<vmem>>) target(%dma_start3A_204 : memref<128x128xf32, #tpu.memory_space<hbm>>) target_semaphore(%arg13 : memref<!tpu.dma_semaphore, #tpu.memory_space<semaphore_mem>>)
      %add3A_209 = arith.constant 4 : i32
      %add3A_210 = arith.addi %add3A_182, %add3A_209 : i32
      %lt3A_211 = arith.constant 50 : i32
      %lt3A_212 = arith.cmpi slt, %add3A_210, %lt3A_211 : i32
      %add3A_213 = arith.constant 4 : i32
      %add3A_214 = arith.addi %add3A_182, %add3A_213 : i32
      %ge3A_215 = arith.constant 5 : i32
      %ge3A_216 = arith.cmpi sge, %add3A_214, %ge3A_215 : i32
      %and3A_217 = arith.andi %lt3A_212, %ge3A_216 : i1
      %convert_element_type3A_218 = arith.extui %and3A_217 : i1 to i32
      %cond3A_219 = arith.constant 0 : i32
      %cond3A_220 = arith.cmpi ne, %convert_element_type3A_218, %cond3A_219 : i32
      scf.if %cond3A_220 {
        %add3A_375 = arith.constant 4 : i32
        %add3A_376 = arith.addi %add3A_182, %add3A_375 : i32
        %sub3A = arith.constant 5 : i32
        %sub3A_377 = arith.subi %add3A_376, %sub3A : i32
        %dma_wait3A_378 = arith.constant 0 : i32
        %dma_wait3A_379 = arith.constant 0 : i32
        %dma_wait3A_380 = arith.constant 0 : i32
        %dma_wait3A_381 = tpu.memref_slice %arg6[%dma_wait3A_378, %dma_wait3A_379, %dma_wait3A_380] : memref<5x128x128xf32, #tpu.memory_space<vmem>> -> memref<1x128x128xf32, #tpu.memory_space<vmem>>
        %dma_wait3A_382 = tpu.memref_squeeze %dma_wait3A_381 : memref<1x128x128xf32, #tpu.memory_space<vmem>> -> memref<128x128xf32, #tpu.memory_space<vmem>>
        %dma_wait3A_383 = arith.constant 0 : i32
        %dma_wait3A_384 = tpu.memref_slice %arg4[%sub3A_377, %mul3A_2, %dma_wait3A_383] : memref<50x4096x128xf32, #tpu.memory_space<hbm>> -> memref<1x128x128xf32, #tpu.memory_space<hbm>>
        %dma_wait3A_385 = tpu.memref_squeeze %dma_wait3A_384 : memref<1x128x128xf32, #tpu.memory_space<hbm>> -> memref<128x128xf32, #tpu.memory_space<hbm>>
        %dma_wait3A_386 = arith.constant 0 : i32
        %dma_wait3A_387 = tpu.memref_slice %arg4[%sub3A_377, %mul3A_2, %dma_wait3A_386] : memref<50x4096x128xf32, #tpu.memory_space<hbm>> -> memref<1x128x128xf32, #tpu.memory_space<hbm>>
        %dma_wait3A_388 = tpu.memref_squeeze %dma_wait3A_387 : memref<1x128x128xf32, #tpu.memory_space<hbm>> -> memref<128x128xf32, #tpu.memory_space<hbm>>
        %dma_wait3A_389 = arith.constant 0 : i32
        %dma_wait3A_390 = arith.constant 0 : i32
        %dma_wait3A_391 = tpu.memref_slice %arg6[%dma_wait3A_378, %dma_wait3A_389, %dma_wait3A_390] : memref<5x128x128xf32, #tpu.memory_space<vmem>> -> memref<1x128x128xf32, #tpu.memory_space<vmem>>
        %dma_wait3A_392 = tpu.memref_squeeze %dma_wait3A_391 : memref<1x128x128xf32, #tpu.memory_space<vmem>> -> memref<128x128xf32, #tpu.memory_space<vmem>>
        tpu.wait_dma2 semaphore(%arg12 : memref<!tpu.dma_semaphore, #tpu.memory_space<semaphore_mem>>) src(%dma_wait3A_392 : memref<128x128xf32, #tpu.memory_space<vmem>>) dst(%dma_wait3A_388 : memref<128x128xf32, #tpu.memory_space<hbm>>)
      } else {
      }
      %add3A_221 = arith.constant 4 : i32
      %add3A_222 = arith.addi %add3A_182, %add3A_221 : i32
      %lt3A_223 = arith.constant 50 : i32
      %lt3A_224 = arith.cmpi slt, %add3A_222, %lt3A_223 : i32
      %convert_element_type3A_225 = arith.extui %lt3A_224 : i1 to i32
      %cond3A_226 = arith.constant 0 : i32
      %cond3A_227 = arith.cmpi ne, %convert_element_type3A_225, %cond3A_226 : i32
      scf.if %cond3A_227 {
        %add3A_375 = arith.constant 4 : i32
        %add3A_376 = arith.addi %add3A_182, %add3A_375 : i32
        %dma_start3A_377 = arith.constant 0 : i32
        %dma_start3A_378 = arith.constant 0 : i32
        %dma_start3A_379 = arith.constant 0 : i32
        %dma_start3A_380 = tpu.memref_slice %arg6[%dma_start3A_377, %dma_start3A_378, %dma_start3A_379] : memref<5x128x128xf32, #tpu.memory_space<vmem>> -> memref<1x128x128xf32, #tpu.memory_space<vmem>>
        %dma_start3A_381 = tpu.memref_squeeze %dma_start3A_380 : memref<1x128x128xf32, #tpu.memory_space<vmem>> -> memref<128x128xf32, #tpu.memory_space<vmem>>
        %dma_start3A_382 = arith.constant 0 : i32
        %dma_start3A_383 = tpu.memref_slice %arg5[%add3A_376, %dma_start3A_382] : memref<50x128xi32, #tpu.memory_space<vmem>> -> memref<1x128xi32, #tpu.memory_space<vmem>>
        %dma_start3A_384 = tpu.memref_squeeze %dma_start3A_383 : memref<1x128xi32, #tpu.memory_space<vmem>> -> memref<128xi32, #tpu.memory_space<vmem>>
        %dma_start3A_385 = arith.constant 0 : i32
        %dma_start3A_386 = arith.constant 0 : i32
        %dma_start3A_387 = tpu.memref_slice %arg2[%dma_start3A_385, %dma_start3A_386] : memref<100000x128xf32, #tpu.memory_space<hbm>> -> memref<100000x128xf32, #tpu.memory_space<hbm>>
        tpu.enqueue_indirect_dma source(%dma_start3A_387 : memref<100000x128xf32, #tpu.memory_space<hbm>>) target(%dma_start3A_381 : memref<128x128xf32, #tpu.memory_space<vmem>>) offsets(%dma_start3A_384 : memref<128xi32, #tpu.memory_space<vmem>>) semaphore(%arg7 : memref<!tpu.dma_semaphore, #tpu.memory_space<semaphore_mem>>)
      } else {
      }
      %mul3A_228 = arith.constant 5 : i32
      %mul3A_229 = arith.muli %scan3A_134, %mul3A_228 : i32
      %add3A_230 = arith.constant 2 : i32
      %add3A_231 = arith.addi %mul3A_229, %add3A_230 : i32
      %dma_wait3A_232 = arith.constant 2 : i32
      %dma_wait3A_233 = arith.constant 0 : i32
      %dma_wait3A_234 = arith.constant 0 : i32
      %dma_wait3A_235 = tpu.memref_slice %arg6[%dma_wait3A_232, %dma_wait3A_233, %dma_wait3A_234] : memref<5x128x128xf32, #tpu.memory_space<vmem>> -> memref<1x128x128xf32, #tpu.memory_space<vmem>>
      %dma_wait3A_236 = tpu.memref_squeeze %dma_wait3A_235 : memref<1x128x128xf32, #tpu.memory_space<vmem>> -> memref<128x128xf32, #tpu.memory_space<vmem>>
      %dma_wait3A_237 = arith.constant 0 : i32
      %dma_wait3A_238 = tpu.memref_slice %arg5[%add3A_231, %dma_wait3A_237] : memref<50x128xi32, #tpu.memory_space<vmem>> -> memref<1x128xi32, #tpu.memory_space<vmem>>
      %dma_wait3A_239 = tpu.memref_squeeze %dma_wait3A_238 : memref<1x128xi32, #tpu.memory_space<vmem>> -> memref<128xi32, #tpu.memory_space<vmem>>
      %dma_wait3A_240 = arith.constant 0 : i32
      %dma_wait3A_241 = arith.constant 0 : i32
      %dma_wait3A_242 = tpu.memref_slice %arg2[%dma_wait3A_240, %dma_wait3A_241] : memref<100000x128xf32, #tpu.memory_space<hbm>> -> memref<100000x128xf32, #tpu.memory_space<hbm>>
      tpu.wait_indirect_dma semaphore(%arg9 : memref<!tpu.dma_semaphore, #tpu.memory_space<semaphore_mem>>) src(%dma_wait3A_242 : memref<100000x128xf32, #tpu.memory_space<hbm>>) dst(%dma_wait3A_236 : memref<128x128xf32, #tpu.memory_space<vmem>>)
      %dma_start3A_243 = arith.constant 2 : i32
      %dma_start3A_244 = arith.constant 0 : i32
      %dma_start3A_245 = arith.constant 0 : i32
      %dma_start3A_246 = tpu.memref_slice %arg6[%dma_start3A_243, %dma_start3A_244, %dma_start3A_245] : memref<5x128x128xf32, #tpu.memory_space<vmem>> -> memref<1x128x128xf32, #tpu.memory_space<vmem>>
      %dma_start3A_247 = tpu.memref_squeeze %dma_start3A_246 : memref<1x128x128xf32, #tpu.memory_space<vmem>> -> memref<128x128xf32, #tpu.memory_space<vmem>>
      %dma_start3A_248 = arith.constant 0 : i32
      %dma_start3A_249 = tpu.memref_slice %arg4[%add3A_231, %mul3A_2, %dma_start3A_248] : memref<50x4096x128xf32, #tpu.memory_space<hbm>> -> memref<1x128x128xf32, #tpu.memory_space<hbm>>
      %dma_start3A_250 = tpu.memref_squeeze %dma_start3A_249 : memref<1x128x128xf32, #tpu.memory_space<hbm>> -> memref<128x128xf32, #tpu.memory_space<hbm>>
      %dma_start3A_251 = arith.constant 0 : i32
      %dma_start3A_252 = tpu.memref_slice %arg4[%add3A_231, %mul3A_2, %dma_start3A_251] : memref<50x4096x128xf32, #tpu.memory_space<hbm>> -> memref<1x128x128xf32, #tpu.memory_space<hbm>>
      %dma_start3A_253 = tpu.memref_squeeze %dma_start3A_252 : memref<1x128x128xf32, #tpu.memory_space<hbm>> -> memref<128x128xf32, #tpu.memory_space<hbm>>
      %dma_start3A_254 = arith.constant 0 : i32
      %dma_start3A_255 = arith.constant 0 : i32
      %dma_start3A_256 = tpu.memref_slice %arg6[%dma_start3A_243, %dma_start3A_254, %dma_start3A_255] : memref<5x128x128xf32, #tpu.memory_space<vmem>> -> memref<1x128x128xf32, #tpu.memory_space<vmem>>
      %dma_start3A_257 = tpu.memref_squeeze %dma_start3A_256 : memref<1x128x128xf32, #tpu.memory_space<vmem>> -> memref<128x128xf32, #tpu.memory_space<vmem>>
      tpu.enqueue_dma source(%dma_start3A_257 : memref<128x128xf32, #tpu.memory_space<vmem>>) target(%dma_start3A_253 : memref<128x128xf32, #tpu.memory_space<hbm>>) target_semaphore(%arg14 : memref<!tpu.dma_semaphore, #tpu.memory_space<semaphore_mem>>)
      %add3A_258 = arith.constant 4 : i32
      %add3A_259 = arith.addi %add3A_231, %add3A_258 : i32
      %lt3A_260 = arith.constant 50 : i32
      %lt3A_261 = arith.cmpi slt, %add3A_259, %lt3A_260 : i32
      %add3A_262 = arith.constant 4 : i32
      %add3A_263 = arith.addi %add3A_231, %add3A_262 : i32
      %ge3A_264 = arith.constant 5 : i32
      %ge3A_265 = arith.cmpi sge, %add3A_263, %ge3A_264 : i32
      %and3A_266 = arith.andi %lt3A_261, %ge3A_265 : i1
      %convert_element_type3A_267 = arith.extui %and3A_266 : i1 to i32
      %cond3A_268 = arith.constant 0 : i32
      %cond3A_269 = arith.cmpi ne, %convert_element_type3A_267, %cond3A_268 : i32
      scf.if %cond3A_269 {
        %add3A_375 = arith.constant 4 : i32
        %add3A_376 = arith.addi %add3A_231, %add3A_375 : i32
        %sub3A = arith.constant 5 : i32
        %sub3A_377 = arith.subi %add3A_376, %sub3A : i32
        %dma_wait3A_378 = arith.constant 1 : i32
        %dma_wait3A_379 = arith.constant 0 : i32
        %dma_wait3A_380 = arith.constant 0 : i32
        %dma_wait3A_381 = tpu.memref_slice %arg6[%dma_wait3A_378, %dma_wait3A_379, %dma_wait3A_380] : memref<5x128x128xf32, #tpu.memory_space<vmem>> -> memref<1x128x128xf32, #tpu.memory_space<vmem>>
        %dma_wait3A_382 = tpu.memref_squeeze %dma_wait3A_381 : memref<1x128x128xf32, #tpu.memory_space<vmem>> -> memref<128x128xf32, #tpu.memory_space<vmem>>
        %dma_wait3A_383 = arith.constant 0 : i32
        %dma_wait3A_384 = tpu.memref_slice %arg4[%sub3A_377, %mul3A_2, %dma_wait3A_383] : memref<50x4096x128xf32, #tpu.memory_space<hbm>> -> memref<1x128x128xf32, #tpu.memory_space<hbm>>
        %dma_wait3A_385 = tpu.memref_squeeze %dma_wait3A_384 : memref<1x128x128xf32, #tpu.memory_space<hbm>> -> memref<128x128xf32, #tpu.memory_space<hbm>>
        %dma_wait3A_386 = arith.constant 0 : i32
        %dma_wait3A_387 = tpu.memref_slice %arg4[%sub3A_377, %mul3A_2, %dma_wait3A_386] : memref<50x4096x128xf32, #tpu.memory_space<hbm>> -> memref<1x128x128xf32, #tpu.memory_space<hbm>>
        %dma_wait3A_388 = tpu.memref_squeeze %dma_wait3A_387 : memref<1x128x128xf32, #tpu.memory_space<hbm>> -> memref<128x128xf32, #tpu.memory_space<hbm>>
        %dma_wait3A_389 = arith.constant 0 : i32
        %dma_wait3A_390 = arith.constant 0 : i32
        %dma_wait3A_391 = tpu.memref_slice %arg6[%dma_wait3A_378, %dma_wait3A_389, %dma_wait3A_390] : memref<5x128x128xf32, #tpu.memory_space<vmem>> -> memref<1x128x128xf32, #tpu.memory_space<vmem>>
        %dma_wait3A_392 = tpu.memref_squeeze %dma_wait3A_391 : memref<1x128x128xf32, #tpu.memory_space<vmem>> -> memref<128x128xf32, #tpu.memory_space<vmem>>
        tpu.wait_dma2 semaphore(%arg13 : memref<!tpu.dma_semaphore, #tpu.memory_space<semaphore_mem>>) src(%dma_wait3A_392 : memref<128x128xf32, #tpu.memory_space<vmem>>) dst(%dma_wait3A_388 : memref<128x128xf32, #tpu.memory_space<hbm>>)
      } else {
      }
      %add3A_270 = arith.constant 4 : i32
      %add3A_271 = arith.addi %add3A_231, %add3A_270 : i32
      %lt3A_272 = arith.constant 50 : i32
      %lt3A_273 = arith.cmpi slt, %add3A_271, %lt3A_272 : i32
      %convert_element_type3A_274 = arith.extui %lt3A_273 : i1 to i32
      %cond3A_275 = arith.constant 0 : i32
      %cond3A_276 = arith.cmpi ne, %convert_element_type3A_274, %cond3A_275 : i32
      scf.if %cond3A_276 {
        %add3A_375 = arith.constant 4 : i32
        %add3A_376 = arith.addi %add3A_231, %add3A_375 : i32
        %dma_start3A_377 = arith.constant 1 : i32
        %dma_start3A_378 = arith.constant 0 : i32
        %dma_start3A_379 = arith.constant 0 : i32
        %dma_start3A_380 = tpu.memref_slice %arg6[%dma_start3A_377, %dma_start3A_378, %dma_start3A_379] : memref<5x128x128xf32, #tpu.memory_space<vmem>> -> memref<1x128x128xf32, #tpu.memory_space<vmem>>
        %dma_start3A_381 = tpu.memref_squeeze %dma_start3A_380 : memref<1x128x128xf32, #tpu.memory_space<vmem>> -> memref<128x128xf32, #tpu.memory_space<vmem>>
        %dma_start3A_382 = arith.constant 0 : i32
        %dma_start3A_383 = tpu.memref_slice %arg5[%add3A_376, %dma_start3A_382] : memref<50x128xi32, #tpu.memory_space<vmem>> -> memref<1x128xi32, #tpu.memory_space<vmem>>
        %dma_start3A_384 = tpu.memref_squeeze %dma_start3A_383 : memref<1x128xi32, #tpu.memory_space<vmem>> -> memref<128xi32, #tpu.memory_space<vmem>>
        %dma_start3A_385 = arith.constant 0 : i32
        %dma_start3A_386 = arith.constant 0 : i32
        %dma_start3A_387 = tpu.memref_slice %arg2[%dma_start3A_385, %dma_start3A_386] : memref<100000x128xf32, #tpu.memory_space<hbm>> -> memref<100000x128xf32, #tpu.memory_space<hbm>>
        tpu.enqueue_indirect_dma source(%dma_start3A_387 : memref<100000x128xf32, #tpu.memory_space<hbm>>) target(%dma_start3A_381 : memref<128x128xf32, #tpu.memory_space<vmem>>) offsets(%dma_start3A_384 : memref<128xi32, #tpu.memory_space<vmem>>) semaphore(%arg8 : memref<!tpu.dma_semaphore, #tpu.memory_space<semaphore_mem>>)
      } else {
      }
      %mul3A_277 = arith.constant 5 : i32
      %mul3A_278 = arith.muli %scan3A_134, %mul3A_277 : i32
      %add3A_279 = arith.constant 3 : i32
      %add3A_280 = arith.addi %mul3A_278, %add3A_279 : i32
      %dma_wait3A_281 = arith.constant 3 : i32
      %dma_wait3A_282 = arith.constant 0 : i32
      %dma_wait3A_283 = arith.constant 0 : i32
      %dma_wait3A_284 = tpu.memref_slice %arg6[%dma_wait3A_281, %dma_wait3A_282, %dma_wait3A_283] : memref<5x128x128xf32, #tpu.memory_space<vmem>> -> memref<1x128x128xf32, #tpu.memory_space<vmem>>
      %dma_wait3A_285 = tpu.memref_squeeze %dma_wait3A_284 : memref<1x128x128xf32, #tpu.memory_space<vmem>> -> memref<128x128xf32, #tpu.memory_space<vmem>>
      %dma_wait3A_286 = arith.constant 0 : i32
      %dma_wait3A_287 = tpu.memref_slice %arg5[%add3A_280, %dma_wait3A_286] : memref<50x128xi32, #tpu.memory_space<vmem>> -> memref<1x128xi32, #tpu.memory_space<vmem>>
      %dma_wait3A_288 = tpu.memref_squeeze %dma_wait3A_287 : memref<1x128xi32, #tpu.memory_space<vmem>> -> memref<128xi32, #tpu.memory_space<vmem>>
      %dma_wait3A_289 = arith.constant 0 : i32
      %dma_wait3A_290 = arith.constant 0 : i32
      %dma_wait3A_291 = tpu.memref_slice %arg2[%dma_wait3A_289, %dma_wait3A_290] : memref<100000x128xf32, #tpu.memory_space<hbm>> -> memref<100000x128xf32, #tpu.memory_space<hbm>>
      tpu.wait_indirect_dma semaphore(%arg10 : memref<!tpu.dma_semaphore, #tpu.memory_space<semaphore_mem>>) src(%dma_wait3A_291 : memref<100000x128xf32, #tpu.memory_space<hbm>>) dst(%dma_wait3A_285 : memref<128x128xf32, #tpu.memory_space<vmem>>)
      %dma_start3A_292 = arith.constant 3 : i32
      %dma_start3A_293 = arith.constant 0 : i32
      %dma_start3A_294 = arith.constant 0 : i32
      %dma_start3A_295 = tpu.memref_slice %arg6[%dma_start3A_292, %dma_start3A_293, %dma_start3A_294] : memref<5x128x128xf32, #tpu.memory_space<vmem>> -> memref<1x128x128xf32, #tpu.memory_space<vmem>>
      %dma_start3A_296 = tpu.memref_squeeze %dma_start3A_295 : memref<1x128x128xf32, #tpu.memory_space<vmem>> -> memref<128x128xf32, #tpu.memory_space<vmem>>
      %dma_start3A_297 = arith.constant 0 : i32
      %dma_start3A_298 = tpu.memref_slice %arg4[%add3A_280, %mul3A_2, %dma_start3A_297] : memref<50x4096x128xf32, #tpu.memory_space<hbm>> -> memref<1x128x128xf32, #tpu.memory_space<hbm>>
      %dma_start3A_299 = tpu.memref_squeeze %dma_start3A_298 : memref<1x128x128xf32, #tpu.memory_space<hbm>> -> memref<128x128xf32, #tpu.memory_space<hbm>>
      %dma_start3A_300 = arith.constant 0 : i32
      %dma_start3A_301 = tpu.memref_slice %arg4[%add3A_280, %mul3A_2, %dma_start3A_300] : memref<50x4096x128xf32, #tpu.memory_space<hbm>> -> memref<1x128x128xf32, #tpu.memory_space<hbm>>
      %dma_start3A_302 = tpu.memref_squeeze %dma_start3A_301 : memref<1x128x128xf32, #tpu.memory_space<hbm>> -> memref<128x128xf32, #tpu.memory_space<hbm>>
      %dma_start3A_303 = arith.constant 0 : i32
      %dma_start3A_304 = arith.constant 0 : i32
      %dma_start3A_305 = tpu.memref_slice %arg6[%dma_start3A_292, %dma_start3A_303, %dma_start3A_304] : memref<5x128x128xf32, #tpu.memory_space<vmem>> -> memref<1x128x128xf32, #tpu.memory_space<vmem>>
      %dma_start3A_306 = tpu.memref_squeeze %dma_start3A_305 : memref<1x128x128xf32, #tpu.memory_space<vmem>> -> memref<128x128xf32, #tpu.memory_space<vmem>>
      tpu.enqueue_dma source(%dma_start3A_306 : memref<128x128xf32, #tpu.memory_space<vmem>>) target(%dma_start3A_302 : memref<128x128xf32, #tpu.memory_space<hbm>>) target_semaphore(%arg15 : memref<!tpu.dma_semaphore, #tpu.memory_space<semaphore_mem>>)
      %add3A_307 = arith.constant 4 : i32
      %add3A_308 = arith.addi %add3A_280, %add3A_307 : i32
      %lt3A_309 = arith.constant 50 : i32
      %lt3A_310 = arith.cmpi slt, %add3A_308, %lt3A_309 : i32
      %add3A_311 = arith.constant 4 : i32
      %add3A_312 = arith.addi %add3A_280, %add3A_311 : i32
      %ge3A_313 = arith.constant 5 : i32
      %ge3A_314 = arith.cmpi sge, %add3A_312, %ge3A_313 : i32
      %and3A_315 = arith.andi %lt3A_310, %ge3A_314 : i1
      %convert_element_type3A_316 = arith.extui %and3A_315 : i1 to i32
      %cond3A_317 = arith.constant 0 : i32
      %cond3A_318 = arith.cmpi ne, %convert_element_type3A_316, %cond3A_317 : i32
      scf.if %cond3A_318 {
        %add3A_375 = arith.constant 4 : i32
        %add3A_376 = arith.addi %add3A_280, %add3A_375 : i32
        %sub3A = arith.constant 5 : i32
        %sub3A_377 = arith.subi %add3A_376, %sub3A : i32
        %dma_wait3A_378 = arith.constant 2 : i32
        %dma_wait3A_379 = arith.constant 0 : i32
        %dma_wait3A_380 = arith.constant 0 : i32
        %dma_wait3A_381 = tpu.memref_slice %arg6[%dma_wait3A_378, %dma_wait3A_379, %dma_wait3A_380] : memref<5x128x128xf32, #tpu.memory_space<vmem>> -> memref<1x128x128xf32, #tpu.memory_space<vmem>>
        %dma_wait3A_382 = tpu.memref_squeeze %dma_wait3A_381 : memref<1x128x128xf32, #tpu.memory_space<vmem>> -> memref<128x128xf32, #tpu.memory_space<vmem>>
        %dma_wait3A_383 = arith.constant 0 : i32
        %dma_wait3A_384 = tpu.memref_slice %arg4[%sub3A_377, %mul3A_2, %dma_wait3A_383] : memref<50x4096x128xf32, #tpu.memory_space<hbm>> -> memref<1x128x128xf32, #tpu.memory_space<hbm>>
        %dma_wait3A_385 = tpu.memref_squeeze %dma_wait3A_384 : memref<1x128x128xf32, #tpu.memory_space<hbm>> -> memref<128x128xf32, #tpu.memory_space<hbm>>
        %dma_wait3A_386 = arith.constant 0 : i32
        %dma_wait3A_387 = tpu.memref_slice %arg4[%sub3A_377, %mul3A_2, %dma_wait3A_386] : memref<50x4096x128xf32, #tpu.memory_space<hbm>> -> memref<1x128x128xf32, #tpu.memory_space<hbm>>
        %dma_wait3A_388 = tpu.memref_squeeze %dma_wait3A_387 : memref<1x128x128xf32, #tpu.memory_space<hbm>> -> memref<128x128xf32, #tpu.memory_space<hbm>>
        %dma_wait3A_389 = arith.constant 0 : i32
        %dma_wait3A_390 = arith.constant 0 : i32
        %dma_wait3A_391 = tpu.memref_slice %arg6[%dma_wait3A_378, %dma_wait3A_389, %dma_wait3A_390] : memref<5x128x128xf32, #tpu.memory_space<vmem>> -> memref<1x128x128xf32, #tpu.memory_space<vmem>>
        %dma_wait3A_392 = tpu.memref_squeeze %dma_wait3A_391 : memref<1x128x128xf32, #tpu.memory_space<vmem>> -> memref<128x128xf32, #tpu.memory_space<vmem>>
        tpu.wait_dma2 semaphore(%arg14 : memref<!tpu.dma_semaphore, #tpu.memory_space<semaphore_mem>>) src(%dma_wait3A_392 : memref<128x128xf32, #tpu.memory_space<vmem>>) dst(%dma_wait3A_388 : memref<128x128xf32, #tpu.memory_space<hbm>>)
      } else {
      }
      %add3A_319 = arith.constant 4 : i32
      %add3A_320 = arith.addi %add3A_280, %add3A_319 : i32
      %lt3A_321 = arith.constant 50 : i32
      %lt3A_322 = arith.cmpi slt, %add3A_320, %lt3A_321 : i32
      %convert_element_type3A_323 = arith.extui %lt3A_322 : i1 to i32
      %cond3A_324 = arith.constant 0 : i32
      %cond3A_325 = arith.cmpi ne, %convert_element_type3A_323, %cond3A_324 : i32
      scf.if %cond3A_325 {
        %add3A_375 = arith.constant 4 : i32
        %add3A_376 = arith.addi %add3A_280, %add3A_375 : i32
        %dma_start3A_377 = arith.constant 2 : i32
        %dma_start3A_378 = arith.constant 0 : i32
        %dma_start3A_379 = arith.constant 0 : i32
        %dma_start3A_380 = tpu.memref_slice %arg6[%dma_start3A_377, %dma_start3A_378, %dma_start3A_379] : memref<5x128x128xf32, #tpu.memory_space<vmem>> -> memref<1x128x128xf32, #tpu.memory_space<vmem>>
        %dma_start3A_381 = tpu.memref_squeeze %dma_start3A_380 : memref<1x128x128xf32, #tpu.memory_space<vmem>> -> memref<128x128xf32, #tpu.memory_space<vmem>>
        %dma_start3A_382 = arith.constant 0 : i32
        %dma_start3A_383 = tpu.memref_slice %arg5[%add3A_376, %dma_start3A_382] : memref<50x128xi32, #tpu.memory_space<vmem>> -> memref<1x128xi32, #tpu.memory_space<vmem>>
        %dma_start3A_384 = tpu.memref_squeeze %dma_start3A_383 : memref<1x128xi32, #tpu.memory_space<vmem>> -> memref<128xi32, #tpu.memory_space<vmem>>
        %dma_start3A_385 = arith.constant 0 : i32
        %dma_start3A_386 = arith.constant 0 : i32
        %dma_start3A_387 = tpu.memref_slice %arg2[%dma_start3A_385, %dma_start3A_386] : memref<100000x128xf32, #tpu.memory_space<hbm>> -> memref<100000x128xf32, #tpu.memory_space<hbm>>
        tpu.enqueue_indirect_dma source(%dma_start3A_387 : memref<100000x128xf32, #tpu.memory_space<hbm>>) target(%dma_start3A_381 : memref<128x128xf32, #tpu.memory_space<vmem>>) offsets(%dma_start3A_384 : memref<128xi32, #tpu.memory_space<vmem>>) semaphore(%arg9 : memref<!tpu.dma_semaphore, #tpu.memory_space<semaphore_mem>>)
      } else {
      }
      %mul3A_326 = arith.constant 5 : i32
      %mul3A_327 = arith.muli %scan3A_134, %mul3A_326 : i32
      %add3A_328 = arith.constant 4 : i32
      %add3A_329 = arith.addi %mul3A_327, %add3A_328 : i32
      %dma_wait3A_330 = arith.constant 4 : i32
      %dma_wait3A_331 = arith.constant 0 : i32
      %dma_wait3A_332 = arith.constant 0 : i32
      %dma_wait3A_333 = tpu.memref_slice %arg6[%dma_wait3A_330, %dma_wait3A_331, %dma_wait3A_332] : memref<5x128x128xf32, #tpu.memory_space<vmem>> -> memref<1x128x128xf32, #tpu.memory_space<vmem>>
      %dma_wait3A_334 = tpu.memref_squeeze %dma_wait3A_333 : memref<1x128x128xf32, #tpu.memory_space<vmem>> -> memref<128x128xf32, #tpu.memory_space<vmem>>
      %dma_wait3A_335 = arith.constant 0 : i32
      %dma_wait3A_336 = tpu.memref_slice %arg5[%add3A_329, %dma_wait3A_335] : memref<50x128xi32, #tpu.memory_space<vmem>> -> memref<1x128xi32, #tpu.memory_space<vmem>>
      %dma_wait3A_337 = tpu.memref_squeeze %dma_wait3A_336 : memref<1x128xi32, #tpu.memory_space<vmem>> -> memref<128xi32, #tpu.memory_space<vmem>>
      %dma_wait3A_338 = arith.constant 0 : i32
      %dma_wait3A_339 = arith.constant 0 : i32
      %dma_wait3A_340 = tpu.memref_slice %arg2[%dma_wait3A_338, %dma_wait3A_339] : memref<100000x128xf32, #tpu.memory_space<hbm>> -> memref<100000x128xf32, #tpu.memory_space<hbm>>
      tpu.wait_indirect_dma semaphore(%arg11 : memref<!tpu.dma_semaphore, #tpu.memory_space<semaphore_mem>>) src(%dma_wait3A_340 : memref<100000x128xf32, #tpu.memory_space<hbm>>) dst(%dma_wait3A_334 : memref<128x128xf32, #tpu.memory_space<vmem>>)
      %dma_start3A_341 = arith.constant 4 : i32
      %dma_start3A_342 = arith.constant 0 : i32
      %dma_start3A_343 = arith.constant 0 : i32
      %dma_start3A_344 = tpu.memref_slice %arg6[%dma_start3A_341, %dma_start3A_342, %dma_start3A_343] : memref<5x128x128xf32, #tpu.memory_space<vmem>> -> memref<1x128x128xf32, #tpu.memory_space<vmem>>
      %dma_start3A_345 = tpu.memref_squeeze %dma_start3A_344 : memref<1x128x128xf32, #tpu.memory_space<vmem>> -> memref<128x128xf32, #tpu.memory_space<vmem>>
      %dma_start3A_346 = arith.constant 0 : i32
      %dma_start3A_347 = tpu.memref_slice %arg4[%add3A_329, %mul3A_2, %dma_start3A_346] : memref<50x4096x128xf32, #tpu.memory_space<hbm>> -> memref<1x128x128xf32, #tpu.memory_space<hbm>>
      %dma_start3A_348 = tpu.memref_squeeze %dma_start3A_347 : memref<1x128x128xf32, #tpu.memory_space<hbm>> -> memref<128x128xf32, #tpu.memory_space<hbm>>
      %dma_start3A_349 = arith.constant 0 : i32
      %dma_start3A_350 = tpu.memref_slice %arg4[%add3A_329, %mul3A_2, %dma_start3A_349] : memref<50x4096x128xf32, #tpu.memory_space<hbm>> -> memref<1x128x128xf32, #tpu.memory_space<hbm>>
      %dma_start3A_351 = tpu.memref_squeeze %dma_start3A_350 : memref<1x128x128xf32, #tpu.memory_space<hbm>> -> memref<128x128xf32, #tpu.memory_space<hbm>>
      %dma_start3A_352 = arith.constant 0 : i32
      %dma_start3A_353 = arith.constant 0 : i32
      %dma_start3A_354 = tpu.memref_slice %arg6[%dma_start3A_341, %dma_start3A_352, %dma_start3A_353] : memref<5x128x128xf32, #tpu.memory_space<vmem>> -> memref<1x128x128xf32, #tpu.memory_space<vmem>>
      %dma_start3A_355 = tpu.memref_squeeze %dma_start3A_354 : memref<1x128x128xf32, #tpu.memory_space<vmem>> -> memref<128x128xf32, #tpu.memory_space<vmem>>
      tpu.enqueue_dma source(%dma_start3A_355 : memref<128x128xf32, #tpu.memory_space<vmem>>) target(%dma_start3A_351 : memref<128x128xf32, #tpu.memory_space<hbm>>) target_semaphore(%arg16 : memref<!tpu.dma_semaphore, #tpu.memory_space<semaphore_mem>>)
      %add3A_356 = arith.constant 4 : i32
      %add3A_357 = arith.addi %add3A_329, %add3A_356 : i32
      %lt3A_358 = arith.constant 50 : i32
      %lt3A_359 = arith.cmpi slt, %add3A_357, %lt3A_358 : i32
      %add3A_360 = arith.constant 4 : i32
      %add3A_361 = arith.addi %add3A_329, %add3A_360 : i32
      %ge3A_362 = arith.constant 5 : i32
      %ge3A_363 = arith.cmpi sge, %add3A_361, %ge3A_362 : i32
      %and3A_364 = arith.andi %lt3A_359, %ge3A_363 : i1
      %convert_element_type3A_365 = arith.extui %and3A_364 : i1 to i32
      %cond3A_366 = arith.constant 0 : i32
      %cond3A_367 = arith.cmpi ne, %convert_element_type3A_365, %cond3A_366 : i32
      scf.if %cond3A_367 {
        %add3A_375 = arith.constant 4 : i32
        %add3A_376 = arith.addi %add3A_329, %add3A_375 : i32
        %sub3A = arith.constant 5 : i32
        %sub3A_377 = arith.subi %add3A_376, %sub3A : i32
        %dma_wait3A_378 = arith.constant 3 : i32
        %dma_wait3A_379 = arith.constant 0 : i32
        %dma_wait3A_380 = arith.constant 0 : i32
        %dma_wait3A_381 = tpu.memref_slice %arg6[%dma_wait3A_378, %dma_wait3A_379, %dma_wait3A_380] : memref<5x128x128xf32, #tpu.memory_space<vmem>> -> memref<1x128x128xf32, #tpu.memory_space<vmem>>
        %dma_wait3A_382 = tpu.memref_squeeze %dma_wait3A_381 : memref<1x128x128xf32, #tpu.memory_space<vmem>> -> memref<128x128xf32, #tpu.memory_space<vmem>>
        %dma_wait3A_383 = arith.constant 0 : i32
        %dma_wait3A_384 = tpu.memref_slice %arg4[%sub3A_377, %mul3A_2, %dma_wait3A_383] : memref<50x4096x128xf32, #tpu.memory_space<hbm>> -> memref<1x128x128xf32, #tpu.memory_space<hbm>>
        %dma_wait3A_385 = tpu.memref_squeeze %dma_wait3A_384 : memref<1x128x128xf32, #tpu.memory_space<hbm>> -> memref<128x128xf32, #tpu.memory_space<hbm>>
        %dma_wait3A_386 = arith.constant 0 : i32
        %dma_wait3A_387 = tpu.memref_slice %arg4[%sub3A_377, %mul3A_2, %dma_wait3A_386] : memref<50x4096x128xf32, #tpu.memory_space<hbm>> -> memref<1x128x128xf32, #tpu.memory_space<hbm>>
        %dma_wait3A_388 = tpu.memref_squeeze %dma_wait3A_387 : memref<1x128x128xf32, #tpu.memory_space<hbm>> -> memref<128x128xf32, #tpu.memory_space<hbm>>
        %dma_wait3A_389 = arith.constant 0 : i32
        %dma_wait3A_390 = arith.constant 0 : i32
        %dma_wait3A_391 = tpu.memref_slice %arg6[%dma_wait3A_378, %dma_wait3A_389, %dma_wait3A_390] : memref<5x128x128xf32, #tpu.memory_space<vmem>> -> memref<1x128x128xf32, #tpu.memory_space<vmem>>
        %dma_wait3A_392 = tpu.memref_squeeze %dma_wait3A_391 : memref<1x128x128xf32, #tpu.memory_space<vmem>> -> memref<128x128xf32, #tpu.memory_space<vmem>>
        tpu.wait_dma2 semaphore(%arg15 : memref<!tpu.dma_semaphore, #tpu.memory_space<semaphore_mem>>) src(%dma_wait3A_392 : memref<128x128xf32, #tpu.memory_space<vmem>>) dst(%dma_wait3A_388 : memref<128x128xf32, #tpu.memory_space<hbm>>)
      } else {
      }
      %add3A_368 = arith.constant 4 : i32
      %add3A_369 = arith.addi %add3A_329, %add3A_368 : i32
      %lt3A_370 = arith.constant 50 : i32
      %lt3A_371 = arith.cmpi slt, %add3A_369, %lt3A_370 : i32
      %convert_element_type3A_372 = arith.extui %lt3A_371 : i1 to i32
      %cond3A_373 = arith.constant 0 : i32
      %cond3A_374 = arith.cmpi ne, %convert_element_type3A_372, %cond3A_373 : i32
      scf.if %cond3A_374 {
        %add3A_375 = arith.constant 4 : i32
        %add3A_376 = arith.addi %add3A_329, %add3A_375 : i32
        %dma_start3A_377 = arith.constant 3 : i32
        %dma_start3A_378 = arith.constant 0 : i32
        %dma_start3A_379 = arith.constant 0 : i32
        %dma_start3A_380 = tpu.memref_slice %arg6[%dma_start3A_377, %dma_start3A_378, %dma_start3A_379] : memref<5x128x128xf32, #tpu.memory_space<vmem>> -> memref<1x128x128xf32, #tpu.memory_space<vmem>>
        %dma_start3A_381 = tpu.memref_squeeze %dma_start3A_380 : memref<1x128x128xf32, #tpu.memory_space<vmem>> -> memref<128x128xf32, #tpu.memory_space<vmem>>
        %dma_start3A_382 = arith.constant 0 : i32
        %dma_start3A_383 = tpu.memref_slice %arg5[%add3A_376, %dma_start3A_382] : memref<50x128xi32, #tpu.memory_space<vmem>> -> memref<1x128xi32, #tpu.memory_space<vmem>>
        %dma_start3A_384 = tpu.memref_squeeze %dma_start3A_383 : memref<1x128xi32, #tpu.memory_space<vmem>> -> memref<128xi32, #tpu.memory_space<vmem>>
        %dma_start3A_385 = arith.constant 0 : i32
        %dma_start3A_386 = arith.constant 0 : i32
        %dma_start3A_387 = tpu.memref_slice %arg2[%dma_start3A_385, %dma_start3A_386] : memref<100000x128xf32, #tpu.memory_space<hbm>> -> memref<100000x128xf32, #tpu.memory_space<hbm>>
        tpu.enqueue_indirect_dma source(%dma_start3A_387 : memref<100000x128xf32, #tpu.memory_space<hbm>>) target(%dma_start3A_381 : memref<128x128xf32, #tpu.memory_space<vmem>>) offsets(%dma_start3A_384 : memref<128xi32, #tpu.memory_space<vmem>>) semaphore(%arg10 : memref<!tpu.dma_semaphore, #tpu.memory_space<semaphore_mem>>)
      } else {
      }
    }
    %scan3A_54 = arith.constant 10 : i32
    %dma_wait3A = arith.constant 0 : i32
    %dma_wait3A_55 = arith.constant 45 : i32
    %dma_wait3A_56 = arith.constant 0 : i32
    %dma_wait3A_57 = arith.constant 0 : i32
    %dma_wait3A_58 = tpu.memref_slice %arg6[%dma_wait3A, %dma_wait3A_56, %dma_wait3A_57] : memref<5x128x128xf32, #tpu.memory_space<vmem>> -> memref<1x128x128xf32, #tpu.memory_space<vmem>>
    %dma_wait3A_59 = tpu.memref_squeeze %dma_wait3A_58 : memref<1x128x128xf32, #tpu.memory_space<vmem>> -> memref<128x128xf32, #tpu.memory_space<vmem>>
    %dma_wait3A_60 = arith.constant 0 : i32
    %dma_wait3A_61 = tpu.memref_slice %arg4[%dma_wait3A_55, %mul3A_2, %dma_wait3A_60] : memref<50x4096x128xf32, #tpu.memory_space<hbm>> -> memref<1x128x128xf32, #tpu.memory_space<hbm>>
    %dma_wait3A_62 = tpu.memref_squeeze %dma_wait3A_61 : memref<1x128x128xf32, #tpu.memory_space<hbm>> -> memref<128x128xf32, #tpu.memory_space<hbm>>
    %dma_wait3A_63 = arith.constant 0 : i32
    %dma_wait3A_64 = tpu.memref_slice %arg4[%dma_wait3A_55, %mul3A_2, %dma_wait3A_63] : memref<50x4096x128xf32, #tpu.memory_space<hbm>> -> memref<1x128x128xf32, #tpu.memory_space<hbm>>
    %dma_wait3A_65 = tpu.memref_squeeze %dma_wait3A_64 : memref<1x128x128xf32, #tpu.memory_space<hbm>> -> memref<128x128xf32, #tpu.memory_space<hbm>>
    %dma_wait3A_66 = arith.constant 0 : i32
    %dma_wait3A_67 = arith.constant 0 : i32
    %dma_wait3A_68 = tpu.memref_slice %arg6[%dma_wait3A, %dma_wait3A_66, %dma_wait3A_67] : memref<5x128x128xf32, #tpu.memory_space<vmem>> -> memref<1x128x128xf32, #tpu.memory_space<vmem>>
    %dma_wait3A_69 = tpu.memref_squeeze %dma_wait3A_68 : memref<1x128x128xf32, #tpu.memory_space<vmem>> -> memref<128x128xf32, #tpu.memory_space<vmem>>
    tpu.wait_dma2 semaphore(%arg12 : memref<!tpu.dma_semaphore, #tpu.memory_space<semaphore_mem>>) src(%dma_wait3A_69 : memref<128x128xf32, #tpu.memory_space<vmem>>) dst(%dma_wait3A_65 : memref<128x128xf32, #tpu.memory_space<hbm>>)
    %dma_wait3A_70 = arith.constant 1 : i32
    %dma_wait3A_71 = arith.constant 46 : i32
    %dma_wait3A_72 = arith.constant 0 : i32
    %dma_wait3A_73 = arith.constant 0 : i32
    %dma_wait3A_74 = tpu.memref_slice %arg6[%dma_wait3A_70, %dma_wait3A_72, %dma_wait3A_73] : memref<5x128x128xf32, #tpu.memory_space<vmem>> -> memref<1x128x128xf32, #tpu.memory_space<vmem>>
    %dma_wait3A_75 = tpu.memref_squeeze %dma_wait3A_74 : memref<1x128x128xf32, #tpu.memory_space<vmem>> -> memref<128x128xf32, #tpu.memory_space<vmem>>
    %dma_wait3A_76 = arith.constant 0 : i32
    %dma_wait3A_77 = tpu.memref_slice %arg4[%dma_wait3A_71, %mul3A_2, %dma_wait3A_76] : memref<50x4096x128xf32, #tpu.memory_space<hbm>> -> memref<1x128x128xf32, #tpu.memory_space<hbm>>
    %dma_wait3A_78 = tpu.memref_squeeze %dma_wait3A_77 : memref<1x128x128xf32, #tpu.memory_space<hbm>> -> memref<128x128xf32, #tpu.memory_space<hbm>>
    %dma_wait3A_79 = arith.constant 0 : i32
    %dma_wait3A_80 = tpu.memref_slice %arg4[%dma_wait3A_71, %mul3A_2, %dma_wait3A_79] : memref<50x4096x128xf32, #tpu.memory_space<hbm>> -> memref<1x128x128xf32, #tpu.memory_space<hbm>>
    %dma_wait3A_81 = tpu.memref_squeeze %dma_wait3A_80 : memref<1x128x128xf32, #tpu.memory_space<hbm>> -> memref<128x128xf32, #tpu.memory_space<hbm>>
    %dma_wait3A_82 = arith.constant 0 : i32
    %dma_wait3A_83 = arith.constant 0 : i32
    %dma_wait3A_84 = tpu.memref_slice %arg6[%dma_wait3A_70, %dma_wait3A_82, %dma_wait3A_83] : memref<5x128x128xf32, #tpu.memory_space<vmem>> -> memref<1x128x128xf32, #tpu.memory_space<vmem>>
    %dma_wait3A_85 = tpu.memref_squeeze %dma_wait3A_84 : memref<1x128x128xf32, #tpu.memory_space<vmem>> -> memref<128x128xf32, #tpu.memory_space<vmem>>
    tpu.wait_dma2 semaphore(%arg13 : memref<!tpu.dma_semaphore, #tpu.memory_space<semaphore_mem>>) src(%dma_wait3A_85 : memref<128x128xf32, #tpu.memory_space<vmem>>) dst(%dma_wait3A_81 : memref<128x128xf32, #tpu.memory_space<hbm>>)
    %dma_wait3A_86 = arith.constant 2 : i32
    %dma_wait3A_87 = arith.constant 47 : i32
    %dma_wait3A_88 = arith.constant 0 : i32
    %dma_wait3A_89 = arith.constant 0 : i32
    %dma_wait3A_90 = tpu.memref_slice %arg6[%dma_wait3A_86, %dma_wait3A_88, %dma_wait3A_89] : memref<5x128x128xf32, #tpu.memory_space<vmem>> -> memref<1x128x128xf32, #tpu.memory_space<vmem>>
    %dma_wait3A_91 = tpu.memref_squeeze %dma_wait3A_90 : memref<1x128x128xf32, #tpu.memory_space<vmem>> -> memref<128x128xf32, #tpu.memory_space<vmem>>
    %dma_wait3A_92 = arith.constant 0 : i32
    %dma_wait3A_93 = tpu.memref_slice %arg4[%dma_wait3A_87, %mul3A_2, %dma_wait3A_92] : memref<50x4096x128xf32, #tpu.memory_space<hbm>> -> memref<1x128x128xf32, #tpu.memory_space<hbm>>
    %dma_wait3A_94 = tpu.memref_squeeze %dma_wait3A_93 : memref<1x128x128xf32, #tpu.memory_space<hbm>> -> memref<128x128xf32, #tpu.memory_space<hbm>>
    %dma_wait3A_95 = arith.constant 0 : i32
    %dma_wait3A_96 = tpu.memref_slice %arg4[%dma_wait3A_87, %mul3A_2, %dma_wait3A_95] : memref<50x4096x128xf32, #tpu.memory_space<hbm>> -> memref<1x128x128xf32, #tpu.memory_space<hbm>>
    %dma_wait3A_97 = tpu.memref_squeeze %dma_wait3A_96 : memref<1x128x128xf32, #tpu.memory_space<hbm>> -> memref<128x128xf32, #tpu.memory_space<hbm>>
    %dma_wait3A_98 = arith.constant 0 : i32
    %dma_wait3A_99 = arith.constant 0 : i32
    %dma_wait3A_100 = tpu.memref_slice %arg6[%dma_wait3A_86, %dma_wait3A_98, %dma_wait3A_99] : memref<5x128x128xf32, #tpu.memory_space<vmem>> -> memref<1x128x128xf32, #tpu.memory_space<vmem>>
    %dma_wait3A_101 = tpu.memref_squeeze %dma_wait3A_100 : memref<1x128x128xf32, #tpu.memory_space<vmem>> -> memref<128x128xf32, #tpu.memory_space<vmem>>
    tpu.wait_dma2 semaphore(%arg14 : memref<!tpu.dma_semaphore, #tpu.memory_space<semaphore_mem>>) src(%dma_wait3A_101 : memref<128x128xf32, #tpu.memory_space<vmem>>) dst(%dma_wait3A_97 : memref<128x128xf32, #tpu.memory_space<hbm>>)
    %dma_wait3A_102 = arith.constant 3 : i32
    %dma_wait3A_103 = arith.constant 48 : i32
    %dma_wait3A_104 = arith.constant 0 : i32
    %dma_wait3A_105 = arith.constant 0 : i32
    %dma_wait3A_106 = tpu.memref_slice %arg6[%dma_wait3A_102, %dma_wait3A_104, %dma_wait3A_105] : memref<5x128x128xf32, #tpu.memory_space<vmem>> -> memref<1x128x128xf32, #tpu.memory_space<vmem>>
    %dma_wait3A_107 = tpu.memref_squeeze %dma_wait3A_106 : memref<1x128x128xf32, #tpu.memory_space<vmem>> -> memref<128x128xf32, #tpu.memory_space<vmem>>
    %dma_wait3A_108 = arith.constant 0 : i32
    %dma_wait3A_109 = tpu.memref_slice %arg4[%dma_wait3A_103, %mul3A_2, %dma_wait3A_108] : memref<50x4096x128xf32, #tpu.memory_space<hbm>> -> memref<1x128x128xf32, #tpu.memory_space<hbm>>
    %dma_wait3A_110 = tpu.memref_squeeze %dma_wait3A_109 : memref<1x128x128xf32, #tpu.memory_space<hbm>> -> memref<128x128xf32, #tpu.memory_space<hbm>>
    %dma_wait3A_111 = arith.constant 0 : i32
    %dma_wait3A_112 = tpu.memref_slice %arg4[%dma_wait3A_103, %mul3A_2, %dma_wait3A_111] : memref<50x4096x128xf32, #tpu.memory_space<hbm>> -> memref<1x128x128xf32, #tpu.memory_space<hbm>>
    %dma_wait3A_113 = tpu.memref_squeeze %dma_wait3A_112 : memref<1x128x128xf32, #tpu.memory_space<hbm>> -> memref<128x128xf32, #tpu.memory_space<hbm>>
    %dma_wait3A_114 = arith.constant 0 : i32
    %dma_wait3A_115 = arith.constant 0 : i32
    %dma_wait3A_116 = tpu.memref_slice %arg6[%dma_wait3A_102, %dma_wait3A_114, %dma_wait3A_115] : memref<5x128x128xf32, #tpu.memory_space<vmem>> -> memref<1x128x128xf32, #tpu.memory_space<vmem>>
    %dma_wait3A_117 = tpu.memref_squeeze %dma_wait3A_116 : memref<1x128x128xf32, #tpu.memory_space<vmem>> -> memref<128x128xf32, #tpu.memory_space<vmem>>
    tpu.wait_dma2 semaphore(%arg15 : memref<!tpu.dma_semaphore, #tpu.memory_space<semaphore_mem>>) src(%dma_wait3A_117 : memref<128x128xf32, #tpu.memory_space<vmem>>) dst(%dma_wait3A_113 : memref<128x128xf32, #tpu.memory_space<hbm>>)
    %dma_wait3A_118 = arith.constant 4 : i32
    %dma_wait3A_119 = arith.constant 49 : i32
    %dma_wait3A_120 = arith.constant 0 : i32
    %dma_wait3A_121 = arith.constant 0 : i32
    %dma_wait3A_122 = tpu.memref_slice %arg6[%dma_wait3A_118, %dma_wait3A_120, %dma_wait3A_121] : memref<5x128x128xf32, #tpu.memory_space<vmem>> -> memref<1x128x128xf32, #tpu.memory_space<vmem>>
    %dma_wait3A_123 = tpu.memref_squeeze %dma_wait3A_122 : memref<1x128x128xf32, #tpu.memory_space<vmem>> -> memref<128x128xf32, #tpu.memory_space<vmem>>
    %dma_wait3A_124 = arith.constant 0 : i32
    %dma_wait3A_125 = tpu.memref_slice %arg4[%dma_wait3A_119, %mul3A_2, %dma_wait3A_124] : memref<50x4096x128xf32, #tpu.memory_space<hbm>> -> memref<1x128x128xf32, #tpu.memory_space<hbm>>
    %dma_wait3A_126 = tpu.memref_squeeze %dma_wait3A_125 : memref<1x128x128xf32, #tpu.memory_space<hbm>> -> memref<128x128xf32, #tpu.memory_space<hbm>>
    %dma_wait3A_127 = arith.constant 0 : i32
    %dma_wait3A_128 = tpu.memref_slice %arg4[%dma_wait3A_119, %mul3A_2, %dma_wait3A_127] : memref<50x4096x128xf32, #tpu.memory_space<hbm>> -> memref<1x128x128xf32, #tpu.memory_space<hbm>>
    %dma_wait3A_129 = tpu.memref_squeeze %dma_wait3A_128 : memref<1x128x128xf32, #tpu.memory_space<hbm>> -> memref<128x128xf32, #tpu.memory_space<hbm>>
    %dma_wait3A_130 = arith.constant 0 : i32
    %dma_wait3A_131 = arith.constant 0 : i32
    %dma_wait3A_132 = tpu.memref_slice %arg6[%dma_wait3A_118, %dma_wait3A_130, %dma_wait3A_131] : memref<5x128x128xf32, #tpu.memory_space<vmem>> -> memref<1x128x128xf32, #tpu.memory_space<vmem>>
    %dma_wait3A_133 = tpu.memref_squeeze %dma_wait3A_132 : memref<1x128x128xf32, #tpu.memory_space<vmem>> -> memref<128x128xf32, #tpu.memory_space<vmem>>
    tpu.wait_dma2 semaphore(%arg16 : memref<!tpu.dma_semaphore, #tpu.memory_space<semaphore_mem>>) src(%dma_wait3A_133 : memref<128x128xf32, #tpu.memory_space<vmem>>) dst(%dma_wait3A_129 : memref<128x128xf32, #tpu.memory_space<hbm>>)
    return
  }
}

</mosaic_0001>

<sc_bundles>
// kernel: kernel.3.cloned.1.call-start
scs
__scs_entry_jumppad:
0x0: {  	(pc) =	sbr.rel $0x88, $3  }
0x1: {  	(tag) =	ssettag $0x0;
	lr =	simm.s32 $0x1  }
0x2: {  	[smem:$0x3F9F] =	sst lr;
	_ =	strace $0xD0000000  }
0x3: {  	_ = 	snop  }
0x4: {  	_ = 	snop  }
0x5: {  	_ = 	snop  }
0x6: {  	_ = 	snop  }
0x7: {  	_ = 	snop  }
__scs_overlays_trampoline_lowered:
0x8: {  	[smem:$0x3FAE] =	sst s0  }
0x9: {  	[smem:$0x3FAF] =	sst s1  }
0xa: {  	[smem:$0x3FB0] =	sst s2  }
0xb: {  	[smem:$0x3FB1] =	sst s3  }
0xc: {  	[smem:$0x3FB2] =	sst s4  }
0xd: {  	[smem:$0x3FB3] =	sst s5  }
0xe: {  	[smem:$0x3FB4] =	sst s6  }
0xf: {  	[smem:$0x3FB5] =	sst s7  }
0x10: {  	[smem:$0x3FB6] =	sst s8  }
0x11: {  	[smem:$0x3FB7] =	sst s9;
	s0 =	simm.s32 @!p0 $0x0  }
0x12: {  	s1 =	sld [smem:$0x3F9D];
	s0 =	simm.s32 @p0 $0x1  }
0x13: {  	[smem:$0x3FB8] =	sst s0;
	s0 =	simm.s32 @!p1 $0x0  }
0x14: {  	s2 =	sld [smem:$0x3F9C];
	s0 =	simm.s32 @p1 $0x1  }
0x15: {  	[smem:$0x3FB9] =	sst s0;
	s0 =	simm.s32 @!p2 $0x0  }
0x16: {  	s3 =	sld [smem:$0x3FDB];
	s0 =	simm.s32 @p2 $0x1  }
0x17: {  	s4 =	simm.s32 $0x1BF5;
	[smem:$0x3FBB] =	sst s0  }
0x18: {  	s0 =	sld [smem:$0x3F9E];
	_ =	swait.ge [sflag:s4], $0x0  }
0x19: {  	s7 =	sld [smem:$0x3F9F]  }
0x1a: {  	s8 =	sadd.s32 $0xFFFFE003, lr  }
0x1b: {  	s9 =	sadd.s32 $0xFFFFFEF7, lr;
	s5 =	simm.s32 $0xFFFFFFFF;
	p2 =	slt.u32 s8, $0xFFFFF086  }
0x1c: {  	p1 =	slt.u32 s9, $0xF7A;
	s5 =	simm.s32 @!p2 $0x0  }
0x1d: {  	s5 =	simm.s32 @p1 $0x1;
	p0 =	seq.s32 s7, s2  }
0x1e: {  	s7 =	smul.u32 @!p0 $0xF7A, s2;
	p2 =	seq.s32 @!p0 s5, $0x0  }
0x1f: {  	s9 =	smul.u32 $0xF7A, s1;
	s8 =	simm.s32 @!p0 $0x1BF5;
	p2 =	por !p2, p0  }
0x20: {  	[sflag:s8] =	ssyncset.s32 @!p0 $0xFFFFF086;
	s6 =	sadd.s32 @!p0 s3, s7;
	s7 =	simm.s32 @!p0 $0x108  }
0x21: {  	s3 =	sadd.s32 s3, s9;
	s6 =	sadd.s32 @!p0 $0x88, s6;
	s7 =	simm.s32 @p2 $0x1082  }
0x22: {  	[simem:s7], [sflag:s8] =	dma.local @!p0 [hbm:s6], $0xF7A  }
0x23: {  	s9 =	sor.u32 $0xD0000000, s2;
	s6 =	simm.s32 $0x108;
	_ =	swait.ge @!p0 [sflag:s8], $0x0  }
0x24: {  	s3 =	sadd.s32 $0x88, s3;
	s6 =	simm.s32 @!p1 $0x1082;
	[sflag:s4] =	ssyncset.s32 $0xFFFFF086  }
0x25: {  	[simem:s6], [sflag:s4] =	dma.local [hbm:s3], $0xF7A  }
0x26: {  	[smem:$0x3F9F] =	sst s1;
	(tag) =	ssettag s2;
	_ =	strace s9  }
0x27: {  	s1 =	sld [smem:$0x3FAF]  }
0x28: {  	s2 =	sld [smem:$0x3FB0]  }
0x29: {  	s4 =	sld [smem:$0x3FB2]  }
0x2a: {  	p0 =	seq.s32 s5, $0x0;
	s5 =	sld [smem:$0x3FB3]  }
0x2b: {  	s6 =	sld [smem:$0x3FB4]  }
0x2c: {  	s7 =	sld [smem:$0x3FB5]  }
0x2d: {  	s3 =	simm.s32 $0x108;
	s8 =	sld [smem:$0x3FB6]  }
0x2e: {  	s3 =	simm.s32 @!p0 $0x1082;
	s9 =	sld [smem:$0x3FB7]  }
0x2f: {  	lr =	sadd.s32 s0, s3;
	s0 =	sld [smem:$0x3FAE]  }
0x30: {  	s3 =	sld [smem:$0x3FB1]  }
0x31: {  	[smem:$0x3FBA] =	sst s10  }
0x32: {  	s10 =	sld [smem:$0x3FB8];
	_ =	sdelay $0x3  }
0x33: {  	p0 =	seq.s32 s10, $0x1;
	s10 =	sld [smem:$0x3FBA];
	_ =	sdelay $0x3  }
0x34: {  	[smem:$0x3FBA] =	sst s10  }
0x35: {  	s10 =	sld [smem:$0x3FB9];
	_ =	sdelay $0x3  }
0x36: {  	p1 =	seq.s32 s10, $0x1;
	s10 =	sld [smem:$0x3FBA];
	_ =	sdelay $0x3  }
0x37: {  	[smem:$0x3FBA] =	sst s10  }
0x38: {  	s10 =	sld [smem:$0x3FBB]  }
0x39: {  	_ = 	snop;
	(pc) =	sbr.ind lr, $3  }
0x3a: {  	_ = 	snop  }
0x3b: {  	_ = 	snop  }
0x3c: {  	p2 =	seq.s32 s10, $0x1;
	s10 =	sld [smem:$0x3FBA]  }
0x3d: {  	_ =	shalt  }
0x3e: {  	_ =	shalt  }
0x3f: {  	_ =	shalt  }
0x40: {  	_ =	shalt  }
0x41: {  	_ =	shalt  }
0x42: {  	_ =	shalt  }
0x43: {  	_ =	shalt  }
0x44: {  	_ =	shalt  }
0x45: {  	_ =	shalt  }
0x46: {  	_ =	shalt  }
0x47: {  	_ =	shalt  }
0x48: {  	_ =	shalt  }
0x49: {  	_ =	shalt  }
0x4a: {  	_ =	shalt  }
0x4b: {  	_ =	shalt  }
0x4c: {  	_ =	shalt  }
0x4d: {  	_ =	shalt  }
0x4e: {  	_ =	shalt  }
0x4f: {  	_ =	shalt  }
0x50: {  	_ =	shalt  }
0x51: {  	_ =	shalt  }
0x52: {  	_ =	shalt  }
0x53: {  	_ =	shalt  }
0x54: {  	_ =	shalt  }
0x55: {  	_ =	shalt  }
0x56: {  	_ =	shalt  }
0x57: {  	_ =	shalt  }
0x58: {  	_ =	shalt  }
0x59: {  	_ =	shalt  }
0x5a: {  	_ =	shalt  }
0x5b: {  	_ =	shalt  }
0x5c: {  	_ =	shalt  }
0x5d: {  	_ =	shalt  }
0x5e: {  	_ =	shalt  }
0x5f: {  	_ =	shalt  }
0x60: {  	_ =	shalt  }
0x61: {  	_ =	shalt  }
0x62: {  	_ =	shalt  }
0x63: {  	_ =	shalt  }
0x64: {  	_ =	shalt  }
0x65: {  	_ =	shalt  }
0x66: {  	_ =	shalt  }
0x67: {  	_ =	shalt  }
0x68: {  	_ =	shalt  }
0x69: {  	_ =	shalt  }
0x6a: {  	_ =	shalt  }
0x6b: {  	_ =	shalt  }
0x6c: {  	_ =	shalt  }
0x6d: {  	_ =	shalt  }
0x6e: {  	_ =	shalt  }
0x6f: {  	_ =	shalt  }
0x70: {  	_ =	shalt  }
0x71: {  	_ =	shalt  }
0x72: {  	_ =	shalt  }
0x73: {  	_ =	shalt  }
0x74: {  	_ =	shalt  }
0x75: {  	_ =	shalt  }
0x76: {  	_ =	shalt  }
0x77: {  	_ =	shalt  }
0x78: {  	_ =	shalt  }
0x79: {  	_ =	shalt  }
0x7a: {  	_ =	shalt  }
0x7b: {  	_ =	shalt  }
0x7c: {  	_ =	shalt  }
0x7d: {  	_ =	shalt  }
0x7e: {  	_ =	shalt  }
0x7f: {  	_ =	shalt  }
0x80: {  	_ =	shalt  }
0x81: {  	_ =	shalt  }
0x82: {  	_ =	shalt  }
0x83: {  	_ =	shalt  }
0x84: {  	_ =	shalt  }
0x85: {  	_ =	shalt  }
0x86: {  	_ =	shalt  }
0x87: {  	_ =	shalt  }
.Lfunc_end0:
.L_simem_size_0:
called_computation_lowered:
.L_overlay_start_0:
0x88: {  	s2 =	sld [smem:$0x3FD9]  }
0x89: {  	s3 =	sld [smem:$0x3FFE];
	_ =	sdelay $0x1  }
0x8a: {  	s1 =	srdreg.scid  }
0x8b: {  	s0 =	sand.u32 $0x1, s1  }
0x8c: {  	s18 =	sshll.u32 s0, $0xA;
	s2 =	sadd.s32 s3, s2  }
0x8d: {  	s2 =	sadd.s32 s2, s18  }
0x8e: {  	[smem:$0x3FC6] =	sst s2  }
0x8f: {  	_ = 	snop  }
0x90: {  	s2 =	sld [smem:$0x3FC9]  }
0x91: {  	s19 =	sld [smem:$0x3FC8]  }
0x92: {  	s4 =	sld [smem:$0x3FD0];
	(tm) =	ssettm $0x1  }
0x93: {  	s5 =	sld [smem:$0x3FFB];
	_ =	sdelay $0x3  }
0x94: {  	_ =	strace s5  }
0x95: {  	s5 =	sld [smem:$0x3FFC];
	_ =	sdelay $0x3  }
0x96: {  	_ =	strace s5  }
0x97: {  	s5 =	sld [smem:$0x3FFD];
	_ =	sdelay $0x3  }
0x98: {  	_ =	strace s5  }
0x99: {  	_ =	strace $0x8FFFFFFF  }
0x9a: {  	s20 =	sld [smem:$0x3FDB];
	_ =	sdelay $0x1  }
0x9b: {  	s6 =	simm.s32 $_scs_section_size  }
0x9c: {  	s7 =	simm.s32 $_size__tile_overlayer_lowered;
	s8 =	simm.s32 $_tile_overlayer_lowered  }
0x9d: {  	s23 =	simm.s32 $0x1BFF;
	s22 =	sshll.u32 s8, $0x1;
	s5 =	sadd.s32 s6, s20  }
0x9e: {  	s9 =	simm.s32 $0x0;
	s21 =	sshll.u32 s7, $0x1;
	s7 =	sadd.s32 s22, s5  }
0x9f: {  	[timem:s9], [sflag:s23] =	dma.local [hbm:s7], s21  }
0xa0: {  	_ =	swait.ge [sflag:s23], s21  }
0xa1: {  	s6 =	ssub.s32 $0x0, s21;
	[sflag:s23] =	ssyncset.done $0x0  }
0xa2: {  	[sflag:s23] =	ssyncadd.s32 s6;
	_ =	sdelay $0x1  }
0xa3: {  	s24 =	simm.s32 $0x1B8B  }
0xa4: {  	_ =	swait.ge [sflag:s24], $0x1  }
0xa5: {  	[sflag:s24] =	ssyncset.done $0x0  }
0xa6: {  	s25 =	simm.s32 $0x1B8E;
	[sflag:s24] =	ssyncadd.s32 $0xFFFFFFFF  }
0xa7: {  	s26 =	simm.s32 $execute0_lowered;
	[smem:$0x3FD2] =	sst s25  }
0xa8: {  	s6 =	sshll.u32 s26, $0x1;
	_ =	strace $0x80000046;
	[dreg:$0x1] =	wrdreg $0xFFFFFFFF  }
0xa9: {  	s28 =	simm.s32 $_size_execute0_lowered;
	s5 =	sadd.s32 s5, s6;
	[dreg:$0x0] =	wrdreg $0x0  }
0xaa: {  	s6 =	sshll.u32 s28, $0x1;
	[dreg:$0x2] =	wrdreg s5  }
0xab: {  	[dreg:$0x3] =	wrdreg s6  }
0xac: {  	[dreg:$0x4] =	wrdreg $0xC0  }
0xad: {  	_ =	task [dreg:s9], $0x5FFFF  }
0xae: {  	[dreg:$0x1] =	wrdreg $0xFFFFFFFF  }
0xaf: {  	[dreg:$0x0] =	wrdreg $0x60  }
0xb0: {  	[dreg:$0x2] =	wrdreg s19  }
0xb1: {  	[dreg:$0x3] =	wrdreg s2  }
0xb2: {  	[dreg:$0x4] =	wrdreg s4  }
0xb3: {  	[dreg:$0x5] =	wrdreg $0x9  }
0xb4: {  	_ =	task.clear_ibuf [dreg:s9], $0x6FFFF;
	_ =	strace $0x90000046  }
0xb5: {  	s29 =	simm.s32 $0x9;
	_ =	strace $0x80000048  }
0xb6: {  	_ =	swait.ge [sflag:s29], $0x1  }
0xb7: {  	[sflag:s29] =	ssyncadd.s32 $0xFFFFFFFF  }
0xb8: {  	_ =	strace $0x90000048  }
0xb9: {  	_ =	sfence  }
0xba: {  	s30 =	sld [smem:$0x0];
	_ =	sdelay $0x2  }
0xbb: {  	s31 =	sshll.u32 s1, $0xD;
	s1 =	sshrl.u32 s1, $0x2  }
0xbc: {  	s3 =	sand.u32 $0x4000, s31;
	s1 =	sadd.s32 s1, s30  }
0xbd: {  	s0 =	sor.u32 s3, s0;
	s1 =	sshll.u32 s1, $0x11  }
0xbe: {  	s0 =	sor.u32 s1, s0  }
0xbf: {  	s0 =	sadd.s32 $0x8F2B, s0  }
0xc0: {  	[sflag:s0] =	ssyncadd.remote.s32 $0x1  }
0xc1: {  	_ =	sfence.sel $0xFFFF  }
0xc2: {  	[dreg:$0x0] =	wrdreg $0xFFFFFFFF;
	(pc) =	sbr.abs _section_cstart, $3  }
0xc3: {  	[dreg:$0x1] =	wrdreg $0xFFFFFFFF  }
0xc4: {  	_ =	task.clear_ibuf [dreg:s9], $0x2FFFF;
	_ =	strace $0x9FFFFFFF  }
0xc5: {  	(tm) =	ssettm $0x7FFFFFFF  }
tec
execute0_lowered:
.L_overlay_start_1:
0x0: {  	(tag) =	ssettag $0x1  }
0x1: {  	s1 =	rddreg [dreg:$0x0]  }
0x2: {  	s0 =	rddreg [dreg:$0x1]  }
0x3: {  	s2 =	rddreg [dreg:$0x2];
	s4 =	srdreg.scid;
	s3 =	simm.s32 $0x0  }
0x4: {  	s9 =	stileid.u32;
	s28 =	simm.s32 $0x4;
	s29 =	simm.s32 $0x5  }
0x5: {  	s30 =	simm.s32 $0x6;
	s31 =	simm.s32 $0x7;
	s13 =	simm.s32 $0xA  }
0x6: {  	s4 =	sand.u32 $0x1, s4;
	[smem:$0x7FF] =	sst s3;
	s7 =	sshll.u32 s9, $0x8  }
0x7: {  	s15 =	sshll.u32 s9, $0xF;
	s5 =	ssub.s32 $0x2, s4;
	s8 =	sshll.u32 s4, $0x7  }
0x8: {  	_ =	strace $0x80000047;
	s6 =	sshrl.u32 s5, $0x1;
	s14 =	sor.u32 s8, s7  }
0x9: {  	s4 =	sshll.u32 s4, $0xE;
	s5 =	ssub.s32 s5, s6;
	s7 =	sadd.s32 s0, s14  }
0xa: {  	s6 =	sshll.u32 s14, $0x4;
	s0 =	sor.u32 s4, s15;
	s14 =	simm.s32 $0x0  }
0xb: {  	[dreg:$0x4] =	wrdreg s7;
	s7 =	sadd.s32 $0x6000, s7;
	s16 =	smax.u32 s5, $0x1  }
0xc: {  	s17 =	sadd.s32 s6, s2;
	s18 =	sor.u32 $0x180000, s0;
	s20 =	sor.u32 $0x100000, s0  }
0xd: {  	s22 =	sor.u32 $0x80000, s0;
	s24 =	sor.u32 $0x200000, s0;
	[dreg:$0x5] =	wrdreg s7  }
0xe: {  	s0 =	sshrl.u32 s0, $0x3;
	[dreg:$0x6] =	wrdreg s16;
	s7 =	sadd.s32 $0x2F0000, s17  }
0xf: {  	s19 =	sshrl.u32 s18, $0x3;
	s21 =	sshrl.u32 s20, $0x3;
	s23 =	sshrl.u32 s22, $0x3  }
0x10: {  	s25 =	sshrl.u32 s24, $0x3;
	s0 =	sadd.s32 s0, s2;
	s17 =	simm.s32 $0x80  }
0x11: {  	s18 =	simm.s32 $0x1C00;
	s24 =	simm.s32 $0x1;
	s4 =	sadd.s32 s19, s2  }
.Ltmp0:
0x12: {  	[dreg:$0xa] =	wrdreg s0;
	s26 =	sadd.s32 s25, s2;
	(pc) =	sbr.rel .LBB2_1-.Ltmp0, $4  }
0x13: {  	s19 =	simm.s32 $0x5C00;
	s25 =	simm.s32 $0x11C00;
	[dreg:$0x7] =	wrdreg s4  }
0x14: {  	s0 =	simm.s32 $0x8;
	s4 =	sadd.s32 s21, s2;
	[dreg:$0xb] =	wrdreg s26  }
0x15: {  	s26 =	simm.s32 $0x2;
	[dreg:$0x8] =	wrdreg s4;
	s4 =	sadd.s32 s23, s2  }
0x16: {  	s23 =	simm.s32 $0xDC00;
	s2 =	simm.s32 $0x9;
	[dreg:$0x9] =	wrdreg s4  }
.LBB2_4:
0x17: {  	_ =	swait.ge [sflag:s30], $0x4000  }
0x18: {  	[sflag:s30] =	ssyncset.done $0x0  }
0x19: {  	[sflag:s30] =	ssyncadd.s32 $0xFFFFC000  }
0x1a: {  	_ =	swait.ge [sflag:s31], $0x4000  }
0x1b: {  	[sflag:s31] =	ssyncset.done $0x0  }
0x1c: {  	[sflag:s31] =	ssyncadd.s32 $0xFFFFC000  }
0x1d: {  	_ =	swait.ge [sflag:s0], $0x4000  }
0x1e: {  	[sflag:s0] =	ssyncset.done $0x0  }
0x1f: {  	[sflag:s0] =	ssyncadd.s32 $0xFFFFC000  }
0x20: {  	_ =	swait.ge [sflag:s2], $0x4000  }
0x21: {  	[sflag:s2] =	ssyncset.done $0x0  }
0x22: {  	[sflag:s2] =	ssyncadd.s32 $0xFFFFC000  }
0x23: {  	_ =	swait.ge [sflag:s13], $0x4000  }
0x24: {  	s14 =	sadd.s32 $0x1, s14;
	s4 =	rddreg [dreg:$0x6]  }
0x25: {  	p0 =	sne.s32 s14, s4  }
.Ltmp1:
0x26: {  	_ = 	snop;
	(pc) =	sbr.rel @!p0 .LBB2_5-.Ltmp1, $3  }
0x27: {  	_ =	sdelay $0x1  }
0x28: {  	[sflag:s13] =	ssyncset.done $0x0  }
0x29: {  	[sflag:s13] =	ssyncadd.s32 $0xFFFFC000  }
.LBB2_1:
0x2a: {  	s4 =	rddreg [dreg:$0x4];
	s5 =	simm.s32 $0x400;
	s6 =	simm.s32 $0x8000  }
0x2b: {  	[tilespmem:s3], [sflag:$0xB] =	stream.strided.gather [hbm4b:s4+s5], $0x1800, s6, s5, $0x38;
	[tilespmem:$0x15C00] =	vst v63  }
0x2c: {  	s12 =	rddreg [dreg:$0x5];
	s15 =	simm.s32 $0x1800;
	s16 =	simm.s32 $0xB  }
0x2d: {  	[tilespmem:s15], [sflag:$0xB] =	stream.linear.gather [hbm4b:s12+s3], $0x100, $0x38;
	[tilespmem:$0x15C00] =	vst v63  }
0x2e: {  	_ =	swait.ge [sflag:s16], $0x1900  }
0x2f: {  	[sflag:s16] =	ssyncset.done $0x0;
	s12 =	rddreg [dreg:$0xb]  }
0x30: {  	s11 =	rddreg [dreg:$0xa];
	[sflag:s16] =	ssyncadd.s32 $0xFFFFE700  }
0x31: {  	[tilespmem:s18], [sflag:$0x1] =	stream.indirect.gather [hbm4b:s1+s17], $0x80, s3, s17, $0xb8;
	[tilespmem:$0x15C00] =	vst v63  }
0x32: {  	s20 =	simm.s32 $0x100;
	s10 =	rddreg [dreg:$0x9]  }
0x33: {  	[tilespmem:s19], [sflag:$0x2] =	stream.indirect.gather [hbm4b:s1+s17], $0x80, s17, s17, $0xb8;
	[tilespmem:$0x15C00] =	vst v63  }
0x34: {  	s21 =	simm.s32 $0x9C00;
	s22 =	simm.s32 $0x180;
	s9 =	rddreg [dreg:$0x8]  }
0x35: {  	[tilespmem:s21], [sflag:$0x3] =	stream.indirect.gather [hbm4b:s1+s17], $0x80, s20, s17, $0xb8;
	[tilespmem:$0x15C00] =	vst v63  }
0x36: {  	s6 =	simm.s32 $0x0;
	s15 =	simm.s32 $0xFFFFFFFF;
	s8 =	rddreg [dreg:$0x7]  }
0x37: {  	[tilespmem:s23], [sflag:$0x4] =	stream.indirect.gather [hbm4b:s1+s17], $0x80, s22, s17, $0xb8;
	[tilespmem:$0x15C00] =	vst v63  }
.LBB2_2:
0x38: {  	_ =	swait.ge [sflag:s24], $0x4000  }
0x39: {  	p0 =	sgt.u32 s15, $0x2C;
	[sflag:s24] =	ssyncset.done $0x0  }
0x3a: {  	s5 =	simm.s32 @!p0 $0xA;
	[sflag:s24] =	ssyncadd.s32 $0xFFFFC000  }
0x3b: {  	[hbm4b:s11+s3] =	stream.linear.scatter [tilespmem:s18], [sflag:$0x6], $0x4000, $0x38;
	[tilespmem:$0x15C00] =	vst v63  }
0x3c: {  	_ =	swait.ge @!p0 [sflag:s5], $0x4000  }
0x3d: {  	s4 =	sshra.s32 s6, $0x2;
	[sflag:s5] =	ssyncset.done @!p0 $0x0  }
0x3e: {  	s22 =	sadd.s32 $0x200, s4;
	[sflag:s5] =	ssyncadd.s32 @!p0 $0xFFFFC000  }
0x3f: {  	[tilespmem:s25], [sflag:$0x5] =	stream.indirect.gather [hbm4b:s1+s17], $0x80, s22, s17, $0xb8;
	[tilespmem:$0x15C00] =	vst v63  }
0x40: {  	_ =	swait.ge [sflag:s26], $0x4000  }
0x41: {  	p0 =	seq.s32 s6, $0x5A00;
	[sflag:s26] =	ssyncset.done $0x0  }
0x42: {  	s5 =	simm.s32 @p0 $0x3;
	[sflag:s26] =	ssyncadd.s32 $0xFFFFC000  }
0x43: {  	[hbm4b:s10+s3] =	stream.linear.scatter [tilespmem:s19], [sflag:$0x7], $0x4000, $0x38;
	[tilespmem:$0x15C00] =	vst v63  }
0x44: {  	_ =	swait.ge @p0 [sflag:s5], $0x4000  }
0x45: {  	[sflag:s5] =	ssyncset.done @p0 $0x0  }
0x46: {  	s22 =	simm.s32 @p0 $0x9C00;
	[sflag:s5] =	ssyncadd.s32 @p0 $0xFFFFC000;
	s5 =	simm.s32 @p0 $0x0  }
0x47: {  	[hbm4b:s7+s5] =	stream.linear.scatter @p0 [tilespmem:s22], [sflag:$0x8], $0x4000, $0x38;
	[tilespmem:$0x15C00] =	vst v63  }
0x48: {  	s5 =	simm.s32 @!p0 $0x6  }
0x49: {  	_ =	swait.ge @!p0 [sflag:s5], $0x4000  }
0x4a: {  	[sflag:s5] =	ssyncset.done @!p0 $0x0  }
0x4b: {  	[sflag:s5] =	ssyncadd.s32 @!p0 $0xFFFFC000;
	s5 =	sshra.s32 @!p0 s6, $0x2  }
0x4c: {  	s21 =	simm.s32 @!p0 $0x80;
	s20 =	simm.s32 @!p0 $0x1C00;
	s22 =	sadd.s32 @!p0 $0x280, s5  }
0x4d: {  	[tilespmem:s20], [sflag:$0x1] =	stream.indirect.gather @!p0 [hbm4b:s1+s21], $0x80, s22, s21, $0xb8;
	[tilespmem:$0x15C00] =	vst v63  }
0x4e: {  	s20 =	simm.s32 @!p0 $0x3  }
0x4f: {  	_ =	swait.ge @!p0 [sflag:s20], $0x4000  }
0x50: {  	[sflag:s20] =	ssyncset.done @!p0 $0x0  }
0x51: {  	s22 =	simm.s32 @!p0 $0x9C00;
	[sflag:s20] =	ssyncadd.s32 @!p0 $0xFFFFC000;
	s20 =	simm.s32 @!p0 $0x0  }
0x52: {  	[hbm4b:s9+s20] =	stream.linear.scatter @!p0 [tilespmem:s22], [sflag:$0x8], $0x4000, $0x38;
	[tilespmem:$0x15C00] =	vst v63  }
0x53: {  	s20 =	simm.s32 @!p0 $0x7  }
0x54: {  	_ =	swait.ge @!p0 [sflag:s20], $0x4000  }
0x55: {  	[sflag:s20] =	ssyncset.done @!p0 $0x0  }
0x56: {  	s16 =	simm.s32 @!p0 $0x5C00;
	[sflag:s20] =	ssyncadd.s32 @!p0 $0xFFFFC000;
	s20 =	sadd.s32 @!p0 $0x300, s5  }
0x57: {  	[tilespmem:s16], [sflag:$0x2] =	stream.indirect.gather @!p0 [hbm4b:s1+s21], $0x80, s20, s21, $0xb8;
	[tilespmem:$0x15C00] =	vst v63  }
0x58: {  	_ =	swait.ge [sflag:s28], $0x4000  }
0x59: {  	[sflag:s28] =	ssyncset.done $0x0  }
0x5a: {  	s16 =	simm.s32 @!p0 $0x8;
	[sflag:s28] =	ssyncadd.s32 $0xFFFFC000  }
0x5b: {  	[hbm4b:s8+s3] =	stream.linear.scatter [tilespmem:s23], [sflag:$0x9], $0x4000, $0x38;
	[tilespmem:$0x15C00] =	vst v63  }
0x5c: {  	_ =	swait.ge @!p0 [sflag:s16], $0x4000  }
0x5d: {  	[sflag:s16] =	ssyncset.done @!p0 $0x0  }
0x5e: {  	s5 =	sadd.s32 @!p0 $0x380, s5;
	[sflag:s16] =	ssyncadd.s32 @!p0 $0xFFFFC000  }
0x5f: {  	[tilespmem:s22], [sflag:$0x3] =	stream.indirect.gather @!p0 [hbm4b:s1+s21], $0x80, s5, s21, $0xb8;
	[tilespmem:$0x15C00] =	vst v63  }
.Ltmp2:
0x60: {  	_ = 	snop;
	(pc) =	sbr.rel @p0 .LBB2_4-.Ltmp2, $4  }
0x61: {  	_ =	swait.ge [sflag:s29], $0x4000  }
0x62: {  	[sflag:s29] =	ssyncset.done $0x0  }
0x63: {  	[sflag:s29] =	ssyncadd.s32 $0xFFFFC000  }
0x64: {  	[hbm4b:s12+s3] =	stream.linear.scatter [tilespmem:s25], [sflag:$0xA], $0x4000, $0x38;
	[tilespmem:$0x15C00] =	vst v63  }
.Ltmp3:
0x65: {  	_ =	swait.ge [sflag:s2], $0x4000;
	s4 =	sadd.s32 $0x400, s4;
	(pc) =	sbr.rel .LBB2_2-.Ltmp3, $4  }
0x66: {  	s6 =	sadd.s32 $0xA00, s6;
	s8 =	sadd.s32 $0x50000, s8;
	s9 =	sadd.s32 $0x50000, s9  }
0x67: {  	s10 =	sadd.s32 $0x50000, s10;
	s11 =	sadd.s32 $0x50000, s11;
	[sflag:s2] =	ssyncset.done $0x0  }
0x68: {  	s15 =	sadd.s32 $0x5, s15;
	s12 =	sadd.s32 $0x50000, s12;
	[sflag:s2] =	ssyncadd.s32 $0xFFFFC000  }
0x69: {  	[tilespmem:s23], [sflag:$0x4] =	stream.indirect.gather [hbm4b:s1+s17], $0x80, s4, s17, $0xb8;
	[tilespmem:$0x15C00] =	vst v63  }
.LBB2_5:
0x6a: {  	_ =	sfence.sel $0x180000  }
0x6b: {  	[bflag:$0x0] =	sbarrier.arrive $0xFFFF  }
0x6c: {  	_ =	strace $0x90000047  }
0x6d: {  	s0 =	stileid.u32;
	[bflag:$0x2] =	sbarrier.arrive $0xFFFF  }
0x6e: {  	p0 =	sne.s32 s0, $0x0;
	s0 =	rddreg [dreg:$0x3]  }
0x6f: {  	s0 =	sadd.s32 @!p0 $0x100000, s0  }
0x70: {  	[sflag:s0] =	ssyncadd.tile.s32 @!p0 $0x1;
	_ =	shalt  }
.Lfunc_end2:
_tile_overlayer_lowered:
.L_overlay_start_2:
0x71: {  	(tag) =	ssettag $0x2  }
0x72: {  	s0 =	rddreg [dreg:$0x0];
	s2 =	stileid.u32  }
0x73: {  	s1 =	rddreg [dreg:$0x1];
	p0 =	sne.s32 s2, $0x0  }
0x74: {  	s3 =	rddreg [dreg:$0x2];
	[bflag:$0x3] =	sbarrier.arrive $0xFFFF;
	s2 =	simm.s32 @!p0 $0x1C0B  }
0x75: {  	[timem:s3], [sflag:s2] =	dma.local @!p0 [hbm:s0], s1  }
0x76: {  	s0 =	simm.s32 @!p0 $0xB  }
0x77: {  	_ =	swait.ge @!p0 [sflag:s0], s1  }
0x78: {  	s1 =	ssub.s32 @!p0 $0x0, s1;
	[sflag:s0] =	ssyncset.done @!p0 $0x0  }
0x79: {  	[sflag:s0] =	ssyncadd.s32 @!p0 s1  }
0x7a: {  	[bflag:$0x3] =	sbarrier.arrive $0xFFFF  }
0x7b: {  	_ =	shalt  }

</sc_bundles>
